<compile_context>
chip_gen: v7x
topology: tpu7x:2x2x1
jax: 0.10.2.dev20260603
libtpu: 0.0.44.dev20260713+nightly
codegen_flags: <defaults>
</compile_context>

<pallas_src>
import functools

import jax
import jax.numpy as jnp
from jax import lax
from jax.experimental import pallas as pl
from jax.experimental.pallas import tpu as pltpu
from jax.experimental.pallas import tpu_sc as plsc

_NC = 1
_NS = 16
_LANES = 16
_CHUNK_ROWS = 8


def _w_table_kernel(vec_ref, attr_t_ref, out_ref):
    out_ref[...] = lax.dot_general(
        vec_ref[...], attr_t_ref[...],
        (((1,), (0,)), ((), ())),
        preferred_element_type=jnp.float32,
    )


def _make_sc_gather(n, e, l):
    mesh = plsc.VectorSubcoreMesh(core_axis_name="c", subcore_axis_name="s", num_cores=1)
    nw = _NC * _NS
    rows_per_w = n // nw
    n_chunks = rows_per_w // _CHUNK_ROWS
    col_groups = n // _LANES
    groups = _CHUNK_ROWS * col_groups

    @functools.partial(
        pl.kernel,
        out_type=jax.ShapeDtypeStruct((n, n), jnp.float32),
        mesh=mesh,
        compiler_params=pltpu.CompilerParams(
            needs_layout_passes=False, use_tc_tiling_on_sc=True),
        scratch_types=[
            [pltpu.VMEM((1, e), jnp.float32) for _ in range(l)],
            [[pltpu.VMEM((_CHUNK_ROWS, n), jnp.int32) for _ in range(l)]
             for _ in range(2)],
            pltpu.VMEM((_CHUNK_ROWS, n), jnp.float32),
            pltpu.SemaphoreType.DMA,
            pltpu.SemaphoreType.DMA,
            pltpu.SemaphoreType.DMA,
        ],
    )
    def sc_gather(w_hbm, paths_hbm, out_hbm, tables_v, idx_v, out_v,
                  sem_t, sem_i, sem_s):
        wid = lax.axis_index("s")
        row0 = wid * rows_per_w
        in_dmas = [
            pltpu.async_copy(w_hbm.at[pl.ds(i, 1), :], tables_v[i], sem_t)
            for i in range(l)
        ]
        def issue_idx(ch):
            buf = ch % 2
            return [pltpu.async_copy(
                paths_hbm.at[c, pl.ds(row0 + ch * _CHUNK_ROWS, _CHUNK_ROWS), :],
                idx_v[buf][c], sem_i)
                for c in range(l)]

        idx_dmas = [issue_idx(0), issue_idx(1)]
        for dma in in_dmas:
            dma.wait()

        scale = jnp.float32(1.0 / l)
        store_dma = None
        for ch in range(n_chunks):
            buf = ch % 2
            for dma in idx_dmas[buf]:
                dma.wait()
            if store_dma is not None:
                store_dma.wait()
            idx_ch = idx_v[buf]

            @plsc.parallel_loop(0, groups, unroll=2)
            def _grp(g):
                r8 = g // col_groups
                c0 = (g % col_groups) * _LANES
                acc = jnp.zeros((_LANES,), jnp.float32)
                zero = jnp.zeros((_LANES,), jnp.int32)
                for i in range(l):
                    ev = idx_ch[i][r8, pl.ds(c0, _LANES)]
                    acc = acc + plsc.load_gather(tables_v[i], [zero, ev])
                out_v[r8, pl.ds(c0, _LANES)] = acc * scale

            if ch + 2 < n_chunks:
                idx_dmas[buf] = issue_idx(ch + 2)
            store_dma = pltpu.async_copy(
                out_v,
                out_hbm.at[pl.ds(row0 + ch * _CHUNK_ROWS, _CHUNK_ROWS), :],
                sem_s)
        store_dma.wait()

    return sc_gather


def kernel(x, edge_attr, edge_paths, edge_vector):
    n = edge_paths.shape[0]
    l, d_edge = edge_vector.shape
    e = edge_attr.shape[0]

    w = pl.pallas_call(
        _w_table_kernel,
        out_shape=jax.ShapeDtypeStruct((l, e), jnp.float32),
    )(edge_vector, edge_attr.T)

    paths_hm = edge_paths.transpose(2, 0, 1)
    sc_gather = _make_sc_gather(n, e, l)
    return sc_gather(w, paths_hm)

# --- scband reference (transcript-rebuilt; emitter-appended) ---
"""Pipeline reference for scband-edge-encoding-2216203124823 (READ-ONLY COPY).

The authoritative reference and input builder live on the scoring server;
editing this copy changes nothing except your own understanding.
"""

import jax, jax.numpy as jnp
import numpy as np

N = 512
E = 16384
D_EDGE = 16
L = 5
D_NODE = 128


def setup_inputs(seed: int = 0) -> dict:
    key = jax.random.key(seed)
    k1, k2, k3, k4 = jax.random.split(key, 4)
    x = jax.random.normal(k1, (N, D_NODE), dtype=jnp.float32)
    edge_attr = jax.random.normal(k2, (E, D_EDGE), dtype=jnp.float32)
    # dense pairwise path tensor: edge index for each (src, dst, hop); all paths full length L
    edge_paths = jax.random.randint(k3, (N, N, L), 0, E, dtype=jnp.int32)
    # learned parameter from __init__: edge_vector [max_path_distance, edge_dim]
    edge_vector = jax.random.normal(k4, (L, D_EDGE), dtype=jnp.float32)
    return {"x": x, "edge_attr": edge_attr, "edge_paths": edge_paths, "edge_vector": edge_vector}


def reference(x, edge_attr, edge_paths, edge_vector):
    # Vectorized form of the per-(src,dst) loop:
    # cij[s, d] = mean_i dot(edge_vector[i], edge_attr[edge_paths[s, d, i]])
    gathered = jnp.take(edge_attr, edge_paths, axis=0)        # [N, N, L, D_EDGE]
    dots = (gathered * edge_vector[None, None, :, :]).sum(axis=-1)  # [N, N, L]
    cij = dots.mean(axis=-1)                                  # [N, N]
    cij = jnp.nan_to_num(cij)
    return cij

if __name__ == "__main__":
    import jax
    _d = setup_inputs()
    print(jax.jit(kernel)(*tuple(_d.values())))

</pallas_src>

<mosaic_0001>
#map = affine_map<(d0, d1) -> (0, 0)>
#map1 = affine_map<(d0, d1) -> (0, 0, 0)>
module attributes {stable_mosaic.version = 14 : i64} {
  func.func @sc_gather(%arg0: i32, %arg1: i32, %arg2: memref<5x16384xf32, #tpu.memory_space<hbm>>, %arg3: memref<5x512x512xi32, #tpu.memory_space<hbm>>, %arg4: memref<512x512xf32, #tpu.memory_space<hbm>>, %arg5: memref<1x16384xf32, #tpu.memory_space<vmem>>, %arg6: memref<1x16384xf32, #tpu.memory_space<vmem>>, %arg7: memref<1x16384xf32, #tpu.memory_space<vmem>>, %arg8: memref<1x16384xf32, #tpu.memory_space<vmem>>, %arg9: memref<1x16384xf32, #tpu.memory_space<vmem>>, %arg10: memref<8x512xi32, #tpu.memory_space<vmem>>, %arg11: memref<8x512xi32, #tpu.memory_space<vmem>>, %arg12: memref<8x512xi32, #tpu.memory_space<vmem>>, %arg13: memref<8x512xi32, #tpu.memory_space<vmem>>, %arg14: memref<8x512xi32, #tpu.memory_space<vmem>>, %arg15: memref<8x512xi32, #tpu.memory_space<vmem>>, %arg16: memref<8x512xi32, #tpu.memory_space<vmem>>, %arg17: memref<8x512xi32, #tpu.memory_space<vmem>>, %arg18: memref<8x512xi32, #tpu.memory_space<vmem>>, %arg19: memref<8x512xi32, #tpu.memory_space<vmem>>, %arg20: memref<8x512xf32, #tpu.memory_space<vmem>>, %arg21: memref<!tpu.dma_semaphore, #tpu.memory_space<semaphore_mem>>, %arg22: memref<!tpu.dma_semaphore, #tpu.memory_space<semaphore_mem>>, %arg23: memref<!tpu.dma_semaphore, #tpu.memory_space<semaphore_mem>>) attributes {dimension_semantics = [#tpu.dimension_semantics<core_parallel>, #tpu.dimension_semantics<subcore_parallel>], iteration_bounds = array<i64: 1, 16>, scalar_prefetch = 0 : i64, scratch_operands = 19 : i64, tpu.core_type = #tpu.core_type<sc_vector_subcore>, window_params = [{transform_indices = #map}, {transform_indices = #map1}, {transform_indices = #map}]} {
    %mul3A = arith.constant 32 : i32
    %mul3A_0 = arith.muli %arg1, %mul3A : i32
    %dma_start3A = arith.constant 0 : i32
    %dma_start3A_1 = arith.constant 0 : i32
    %dma_start3A_2 = tpu.memref_slice %arg2[%dma_start3A, %dma_start3A_1] : memref<5x16384xf32, #tpu.memory_space<hbm>> -> memref<1x16384xf32, #tpu.memory_space<hbm>>
    %dma_start3A_3 = arith.constant 0 : i32
    %dma_start3A_4 = arith.constant 0 : i32
    %dma_start3A_5 = tpu.memref_slice %arg2[%dma_start3A_3, %dma_start3A_4] : memref<5x16384xf32, #tpu.memory_space<hbm>> -> memref<1x16384xf32, #tpu.memory_space<hbm>>
    tpu.enqueue_dma source(%dma_start3A_5 : memref<1x16384xf32, #tpu.memory_space<hbm>>) target(%arg5 : memref<1x16384xf32, #tpu.memory_space<vmem>>) target_semaphore(%arg21 : memref<!tpu.dma_semaphore, #tpu.memory_space<semaphore_mem>>)
    %dma_start3A_6 = arith.constant 1 : i32
    %dma_start3A_7 = arith.constant 0 : i32
    %dma_start3A_8 = tpu.memref_slice %arg2[%dma_start3A_6, %dma_start3A_7] : memref<5x16384xf32, #tpu.memory_space<hbm>> -> memref<1x16384xf32, #tpu.memory_space<hbm>>
    %dma_start3A_9 = arith.constant 1 : i32
    %dma_start3A_10 = arith.constant 0 : i32
    %dma_start3A_11 = tpu.memref_slice %arg2[%dma_start3A_9, %dma_start3A_10] : memref<5x16384xf32, #tpu.memory_space<hbm>> -> memref<1x16384xf32, #tpu.memory_space<hbm>>
    tpu.enqueue_dma source(%dma_start3A_11 : memref<1x16384xf32, #tpu.memory_space<hbm>>) target(%arg6 : memref<1x16384xf32, #tpu.memory_space<vmem>>) target_semaphore(%arg21 : memref<!tpu.dma_semaphore, #tpu.memory_space<semaphore_mem>>)
    %dma_start3A_12 = arith.constant 2 : i32
    %dma_start3A_13 = arith.constant 0 : i32
    %dma_start3A_14 = tpu.memref_slice %arg2[%dma_start3A_12, %dma_start3A_13] : memref<5x16384xf32, #tpu.memory_space<hbm>> -> memref<1x16384xf32, #tpu.memory_space<hbm>>
    %dma_start3A_15 = arith.constant 2 : i32
    %dma_start3A_16 = arith.constant 0 : i32
    %dma_start3A_17 = tpu.memref_slice %arg2[%dma_start3A_15, %dma_start3A_16] : memref<5x16384xf32, #tpu.memory_space<hbm>> -> memref<1x16384xf32, #tpu.memory_space<hbm>>
    tpu.enqueue_dma source(%dma_start3A_17 : memref<1x16384xf32, #tpu.memory_space<hbm>>) target(%arg7 : memref<1x16384xf32, #tpu.memory_space<vmem>>) target_semaphore(%arg21 : memref<!tpu.dma_semaphore, #tpu.memory_space<semaphore_mem>>)
    %dma_start3A_18 = arith.constant 3 : i32
    %dma_start3A_19 = arith.constant 0 : i32
    %dma_start3A_20 = tpu.memref_slice %arg2[%dma_start3A_18, %dma_start3A_19] : memref<5x16384xf32, #tpu.memory_space<hbm>> -> memref<1x16384xf32, #tpu.memory_space<hbm>>
    %dma_start3A_21 = arith.constant 3 : i32
    %dma_start3A_22 = arith.constant 0 : i32
    %dma_start3A_23 = tpu.memref_slice %arg2[%dma_start3A_21, %dma_start3A_22] : memref<5x16384xf32, #tpu.memory_space<hbm>> -> memref<1x16384xf32, #tpu.memory_space<hbm>>
    tpu.enqueue_dma source(%dma_start3A_23 : memref<1x16384xf32, #tpu.memory_space<hbm>>) target(%arg8 : memref<1x16384xf32, #tpu.memory_space<vmem>>) target_semaphore(%arg21 : memref<!tpu.dma_semaphore, #tpu.memory_space<semaphore_mem>>)
    %dma_start3A_24 = arith.constant 4 : i32
    %dma_start3A_25 = arith.constant 0 : i32
    %dma_start3A_26 = tpu.memref_slice %arg2[%dma_start3A_24, %dma_start3A_25] : memref<5x16384xf32, #tpu.memory_space<hbm>> -> memref<1x16384xf32, #tpu.memory_space<hbm>>
    %dma_start3A_27 = arith.constant 4 : i32
    %dma_start3A_28 = arith.constant 0 : i32
    %dma_start3A_29 = tpu.memref_slice %arg2[%dma_start3A_27, %dma_start3A_28] : memref<5x16384xf32, #tpu.memory_space<hbm>> -> memref<1x16384xf32, #tpu.memory_space<hbm>>
    tpu.enqueue_dma source(%dma_start3A_29 : memref<1x16384xf32, #tpu.memory_space<hbm>>) target(%arg9 : memref<1x16384xf32, #tpu.memory_space<vmem>>) target_semaphore(%arg21 : memref<!tpu.dma_semaphore, #tpu.memory_space<semaphore_mem>>)
    %add3A = arith.constant 0 : i32
    %add3A_30 = arith.addi %mul3A_0, %add3A : i32
    %dma_start3A_31 = arith.constant 0 : i32
    %dma_start3A_32 = arith.constant 0 : i32
    %dma_start3A_33 = tpu.memref_slice %arg3[%dma_start3A_31, %add3A_30, %dma_start3A_32] : memref<5x512x512xi32, #tpu.memory_space<hbm>> -> memref<1x8x512xi32, #tpu.memory_space<hbm>>
    %dma_start3A_34 = tpu.memref_squeeze %dma_start3A_33 : memref<1x8x512xi32, #tpu.memory_space<hbm>> -> memref<8x512xi32, #tpu.memory_space<hbm>>
    %dma_start3A_35 = arith.constant 0 : i32
    %dma_start3A_36 = tpu.memref_slice %arg3[%dma_start3A_31, %add3A_30, %dma_start3A_35] : memref<5x512x512xi32, #tpu.memory_space<hbm>> -> memref<1x8x512xi32, #tpu.memory_space<hbm>>
    %dma_start3A_37 = tpu.memref_squeeze %dma_start3A_36 : memref<1x8x512xi32, #tpu.memory_space<hbm>> -> memref<8x512xi32, #tpu.memory_space<hbm>>
    tpu.enqueue_dma source(%dma_start3A_37 : memref<8x512xi32, #tpu.memory_space<hbm>>) target(%arg10 : memref<8x512xi32, #tpu.memory_space<vmem>>) target_semaphore(%arg22 : memref<!tpu.dma_semaphore, #tpu.memory_space<semaphore_mem>>)
    %add3A_38 = arith.constant 0 : i32
    %add3A_39 = arith.addi %mul3A_0, %add3A_38 : i32
    %dma_start3A_40 = arith.constant 1 : i32
    %dma_start3A_41 = arith.constant 0 : i32
    %dma_start3A_42 = tpu.memref_slice %arg3[%dma_start3A_40, %add3A_39, %dma_start3A_41] : memref<5x512x512xi32, #tpu.memory_space<hbm>> -> memref<1x8x512xi32, #tpu.memory_space<hbm>>
    %dma_start3A_43 = tpu.memref_squeeze %dma_start3A_42 : memref<1x8x512xi32, #tpu.memory_space<hbm>> -> memref<8x512xi32, #tpu.memory_space<hbm>>
    %dma_start3A_44 = arith.constant 0 : i32
    %dma_start3A_45 = tpu.memref_slice %arg3[%dma_start3A_40, %add3A_39, %dma_start3A_44] : memref<5x512x512xi32, #tpu.memory_space<hbm>> -> memref<1x8x512xi32, #tpu.memory_space<hbm>>
    %dma_start3A_46 = tpu.memref_squeeze %dma_start3A_45 : memref<1x8x512xi32, #tpu.memory_space<hbm>> -> memref<8x512xi32, #tpu.memory_space<hbm>>
    tpu.enqueue_dma source(%dma_start3A_46 : memref<8x512xi32, #tpu.memory_space<hbm>>) target(%arg11 : memref<8x512xi32, #tpu.memory_space<vmem>>) target_semaphore(%arg22 : memref<!tpu.dma_semaphore, #tpu.memory_space<semaphore_mem>>)
    %add3A_47 = arith.constant 0 : i32
    %add3A_48 = arith.addi %mul3A_0, %add3A_47 : i32
    %dma_start3A_49 = arith.constant 2 : i32
    %dma_start3A_50 = arith.constant 0 : i32
    %dma_start3A_51 = tpu.memref_slice %arg3[%dma_start3A_49, %add3A_48, %dma_start3A_50] : memref<5x512x512xi32, #tpu.memory_space<hbm>> -> memref<1x8x512xi32, #tpu.memory_space<hbm>>
    %dma_start3A_52 = tpu.memref_squeeze %dma_start3A_51 : memref<1x8x512xi32, #tpu.memory_space<hbm>> -> memref<8x512xi32, #tpu.memory_space<hbm>>
    %dma_start3A_53 = arith.constant 0 : i32
    %dma_start3A_54 = tpu.memref_slice %arg3[%dma_start3A_49, %add3A_48, %dma_start3A_53] : memref<5x512x512xi32, #tpu.memory_space<hbm>> -> memref<1x8x512xi32, #tpu.memory_space<hbm>>
    %dma_start3A_55 = tpu.memref_squeeze %dma_start3A_54 : memref<1x8x512xi32, #tpu.memory_space<hbm>> -> memref<8x512xi32, #tpu.memory_space<hbm>>
    tpu.enqueue_dma source(%dma_start3A_55 : memref<8x512xi32, #tpu.memory_space<hbm>>) target(%arg12 : memref<8x512xi32, #tpu.memory_space<vmem>>) target_semaphore(%arg22 : memref<!tpu.dma_semaphore, #tpu.memory_space<semaphore_mem>>)
    %add3A_56 = arith.constant 0 : i32
    %add3A_57 = arith.addi %mul3A_0, %add3A_56 : i32
    %dma_start3A_58 = arith.constant 3 : i32
    %dma_start3A_59 = arith.constant 0 : i32
    %dma_start3A_60 = tpu.memref_slice %arg3[%dma_start3A_58, %add3A_57, %dma_start3A_59] : memref<5x512x512xi32, #tpu.memory_space<hbm>> -> memref<1x8x512xi32, #tpu.memory_space<hbm>>
    %dma_start3A_61 = tpu.memref_squeeze %dma_start3A_60 : memref<1x8x512xi32, #tpu.memory_space<hbm>> -> memref<8x512xi32, #tpu.memory_space<hbm>>
    %dma_start3A_62 = arith.constant 0 : i32
    %dma_start3A_63 = tpu.memref_slice %arg3[%dma_start3A_58, %add3A_57, %dma_start3A_62] : memref<5x512x512xi32, #tpu.memory_space<hbm>> -> memref<1x8x512xi32, #tpu.memory_space<hbm>>
    %dma_start3A_64 = tpu.memref_squeeze %dma_start3A_63 : memref<1x8x512xi32, #tpu.memory_space<hbm>> -> memref<8x512xi32, #tpu.memory_space<hbm>>
    tpu.enqueue_dma source(%dma_start3A_64 : memref<8x512xi32, #tpu.memory_space<hbm>>) target(%arg13 : memref<8x512xi32, #tpu.memory_space<vmem>>) target_semaphore(%arg22 : memref<!tpu.dma_semaphore, #tpu.memory_space<semaphore_mem>>)
    %add3A_65 = arith.constant 0 : i32
    %add3A_66 = arith.addi %mul3A_0, %add3A_65 : i32
    %dma_start3A_67 = arith.constant 4 : i32
    %dma_start3A_68 = arith.constant 0 : i32
    %dma_start3A_69 = tpu.memref_slice %arg3[%dma_start3A_67, %add3A_66, %dma_start3A_68] : memref<5x512x512xi32, #tpu.memory_space<hbm>> -> memref<1x8x512xi32, #tpu.memory_space<hbm>>
    %dma_start3A_70 = tpu.memref_squeeze %dma_start3A_69 : memref<1x8x512xi32, #tpu.memory_space<hbm>> -> memref<8x512xi32, #tpu.memory_space<hbm>>
    %dma_start3A_71 = arith.constant 0 : i32
    %dma_start3A_72 = tpu.memref_slice %arg3[%dma_start3A_67, %add3A_66, %dma_start3A_71] : memref<5x512x512xi32, #tpu.memory_space<hbm>> -> memref<1x8x512xi32, #tpu.memory_space<hbm>>
    %dma_start3A_73 = tpu.memref_squeeze %dma_start3A_72 : memref<1x8x512xi32, #tpu.memory_space<hbm>> -> memref<8x512xi32, #tpu.memory_space<hbm>>
    tpu.enqueue_dma source(%dma_start3A_73 : memref<8x512xi32, #tpu.memory_space<hbm>>) target(%arg14 : memref<8x512xi32, #tpu.memory_space<vmem>>) target_semaphore(%arg22 : memref<!tpu.dma_semaphore, #tpu.memory_space<semaphore_mem>>)
    %add3A_74 = arith.constant 8 : i32
    %add3A_75 = arith.addi %mul3A_0, %add3A_74 : i32
    %dma_start3A_76 = arith.constant 0 : i32
    %dma_start3A_77 = arith.constant 0 : i32
    %dma_start3A_78 = tpu.memref_slice %arg3[%dma_start3A_76, %add3A_75, %dma_start3A_77] : memref<5x512x512xi32, #tpu.memory_space<hbm>> -> memref<1x8x512xi32, #tpu.memory_space<hbm>>
    %dma_start3A_79 = tpu.memref_squeeze %dma_start3A_78 : memref<1x8x512xi32, #tpu.memory_space<hbm>> -> memref<8x512xi32, #tpu.memory_space<hbm>>
    %dma_start3A_80 = arith.constant 0 : i32
    %dma_start3A_81 = tpu.memref_slice %arg3[%dma_start3A_76, %add3A_75, %dma_start3A_80] : memref<5x512x512xi32, #tpu.memory_space<hbm>> -> memref<1x8x512xi32, #tpu.memory_space<hbm>>
    %dma_start3A_82 = tpu.memref_squeeze %dma_start3A_81 : memref<1x8x512xi32, #tpu.memory_space<hbm>> -> memref<8x512xi32, #tpu.memory_space<hbm>>
    tpu.enqueue_dma source(%dma_start3A_82 : memref<8x512xi32, #tpu.memory_space<hbm>>) target(%arg15 : memref<8x512xi32, #tpu.memory_space<vmem>>) target_semaphore(%arg22 : memref<!tpu.dma_semaphore, #tpu.memory_space<semaphore_mem>>)
    %add3A_83 = arith.constant 8 : i32
    %add3A_84 = arith.addi %mul3A_0, %add3A_83 : i32
    %dma_start3A_85 = arith.constant 1 : i32
    %dma_start3A_86 = arith.constant 0 : i32
    %dma_start3A_87 = tpu.memref_slice %arg3[%dma_start3A_85, %add3A_84, %dma_start3A_86] : memref<5x512x512xi32, #tpu.memory_space<hbm>> -> memref<1x8x512xi32, #tpu.memory_space<hbm>>
    %dma_start3A_88 = tpu.memref_squeeze %dma_start3A_87 : memref<1x8x512xi32, #tpu.memory_space<hbm>> -> memref<8x512xi32, #tpu.memory_space<hbm>>
    %dma_start3A_89 = arith.constant 0 : i32
    %dma_start3A_90 = tpu.memref_slice %arg3[%dma_start3A_85, %add3A_84, %dma_start3A_89] : memref<5x512x512xi32, #tpu.memory_space<hbm>> -> memref<1x8x512xi32, #tpu.memory_space<hbm>>
    %dma_start3A_91 = tpu.memref_squeeze %dma_start3A_90 : memref<1x8x512xi32, #tpu.memory_space<hbm>> -> memref<8x512xi32, #tpu.memory_space<hbm>>
    tpu.enqueue_dma source(%dma_start3A_91 : memref<8x512xi32, #tpu.memory_space<hbm>>) target(%arg16 : memref<8x512xi32, #tpu.memory_space<vmem>>) target_semaphore(%arg22 : memref<!tpu.dma_semaphore, #tpu.memory_space<semaphore_mem>>)
    %add3A_92 = arith.constant 8 : i32
    %add3A_93 = arith.addi %mul3A_0, %add3A_92 : i32
    %dma_start3A_94 = arith.constant 2 : i32
    %dma_start3A_95 = arith.constant 0 : i32
    %dma_start3A_96 = tpu.memref_slice %arg3[%dma_start3A_94, %add3A_93, %dma_start3A_95] : memref<5x512x512xi32, #tpu.memory_space<hbm>> -> memref<1x8x512xi32, #tpu.memory_space<hbm>>
    %dma_start3A_97 = tpu.memref_squeeze %dma_start3A_96 : memref<1x8x512xi32, #tpu.memory_space<hbm>> -> memref<8x512xi32, #tpu.memory_space<hbm>>
    %dma_start3A_98 = arith.constant 0 : i32
    %dma_start3A_99 = tpu.memref_slice %arg3[%dma_start3A_94, %add3A_93, %dma_start3A_98] : memref<5x512x512xi32, #tpu.memory_space<hbm>> -> memref<1x8x512xi32, #tpu.memory_space<hbm>>
    %dma_start3A_100 = tpu.memref_squeeze %dma_start3A_99 : memref<1x8x512xi32, #tpu.memory_space<hbm>> -> memref<8x512xi32, #tpu.memory_space<hbm>>
    tpu.enqueue_dma source(%dma_start3A_100 : memref<8x512xi32, #tpu.memory_space<hbm>>) target(%arg17 : memref<8x512xi32, #tpu.memory_space<vmem>>) target_semaphore(%arg22 : memref<!tpu.dma_semaphore, #tpu.memory_space<semaphore_mem>>)
    %add3A_101 = arith.constant 8 : i32
    %add3A_102 = arith.addi %mul3A_0, %add3A_101 : i32
    %dma_start3A_103 = arith.constant 3 : i32
    %dma_start3A_104 = arith.constant 0 : i32
    %dma_start3A_105 = tpu.memref_slice %arg3[%dma_start3A_103, %add3A_102, %dma_start3A_104] : memref<5x512x512xi32, #tpu.memory_space<hbm>> -> memref<1x8x512xi32, #tpu.memory_space<hbm>>
    %dma_start3A_106 = tpu.memref_squeeze %dma_start3A_105 : memref<1x8x512xi32, #tpu.memory_space<hbm>> -> memref<8x512xi32, #tpu.memory_space<hbm>>
    %dma_start3A_107 = arith.constant 0 : i32
    %dma_start3A_108 = tpu.memref_slice %arg3[%dma_start3A_103, %add3A_102, %dma_start3A_107] : memref<5x512x512xi32, #tpu.memory_space<hbm>> -> memref<1x8x512xi32, #tpu.memory_space<hbm>>
    %dma_start3A_109 = tpu.memref_squeeze %dma_start3A_108 : memref<1x8x512xi32, #tpu.memory_space<hbm>> -> memref<8x512xi32, #tpu.memory_space<hbm>>
    tpu.enqueue_dma source(%dma_start3A_109 : memref<8x512xi32, #tpu.memory_space<hbm>>) target(%arg18 : memref<8x512xi32, #tpu.memory_space<vmem>>) target_semaphore(%arg22 : memref<!tpu.dma_semaphore, #tpu.memory_space<semaphore_mem>>)
    %add3A_110 = arith.constant 8 : i32
    %add3A_111 = arith.addi %mul3A_0, %add3A_110 : i32
    %dma_start3A_112 = arith.constant 4 : i32
    %dma_start3A_113 = arith.constant 0 : i32
    %dma_start3A_114 = tpu.memref_slice %arg3[%dma_start3A_112, %add3A_111, %dma_start3A_113] : memref<5x512x512xi32, #tpu.memory_space<hbm>> -> memref<1x8x512xi32, #tpu.memory_space<hbm>>
    %dma_start3A_115 = tpu.memref_squeeze %dma_start3A_114 : memref<1x8x512xi32, #tpu.memory_space<hbm>> -> memref<8x512xi32, #tpu.memory_space<hbm>>
    %dma_start3A_116 = arith.constant 0 : i32
    %dma_start3A_117 = tpu.memref_slice %arg3[%dma_start3A_112, %add3A_111, %dma_start3A_116] : memref<5x512x512xi32, #tpu.memory_space<hbm>> -> memref<1x8x512xi32, #tpu.memory_space<hbm>>
    %dma_start3A_118 = tpu.memref_squeeze %dma_start3A_117 : memref<1x8x512xi32, #tpu.memory_space<hbm>> -> memref<8x512xi32, #tpu.memory_space<hbm>>
    tpu.enqueue_dma source(%dma_start3A_118 : memref<8x512xi32, #tpu.memory_space<hbm>>) target(%arg19 : memref<8x512xi32, #tpu.memory_space<vmem>>) target_semaphore(%arg22 : memref<!tpu.dma_semaphore, #tpu.memory_space<semaphore_mem>>)
    %dma_wait3A = arith.constant 0 : i32
    %dma_wait3A_119 = arith.constant 0 : i32
    %dma_wait3A_120 = tpu.memref_slice %arg2[%dma_wait3A, %dma_wait3A_119] : memref<5x16384xf32, #tpu.memory_space<hbm>> -> memref<1x16384xf32, #tpu.memory_space<hbm>>
    %dma_wait3A_121 = arith.constant 0 : i32
    %dma_wait3A_122 = arith.constant 0 : i32
    %dma_wait3A_123 = tpu.memref_slice %arg2[%dma_wait3A_121, %dma_wait3A_122] : memref<5x16384xf32, #tpu.memory_space<hbm>> -> memref<1x16384xf32, #tpu.memory_space<hbm>>
    tpu.wait_dma2 semaphore(%arg21 : memref<!tpu.dma_semaphore, #tpu.memory_space<semaphore_mem>>) src(%dma_wait3A_123 : memref<1x16384xf32, #tpu.memory_space<hbm>>) dst(%arg5 : memref<1x16384xf32, #tpu.memory_space<vmem>>)
    %dma_wait3A_124 = arith.constant 1 : i32
    %dma_wait3A_125 = arith.constant 0 : i32
    %dma_wait3A_126 = tpu.memref_slice %arg2[%dma_wait3A_124, %dma_wait3A_125] : memref<5x16384xf32, #tpu.memory_space<hbm>> -> memref<1x16384xf32, #tpu.memory_space<hbm>>
    %dma_wait3A_127 = arith.constant 1 : i32
    %dma_wait3A_128 = arith.constant 0 : i32
    %dma_wait3A_129 = tpu.memref_slice %arg2[%dma_wait3A_127, %dma_wait3A_128] : memref<5x16384xf32, #tpu.memory_space<hbm>> -> memref<1x16384xf32, #tpu.memory_space<hbm>>
    tpu.wait_dma2 semaphore(%arg21 : memref<!tpu.dma_semaphore, #tpu.memory_space<semaphore_mem>>) src(%dma_wait3A_129 : memref<1x16384xf32, #tpu.memory_space<hbm>>) dst(%arg6 : memref<1x16384xf32, #tpu.memory_space<vmem>>)
    %dma_wait3A_130 = arith.constant 2 : i32
    %dma_wait3A_131 = arith.constant 0 : i32
    %dma_wait3A_132 = tpu.memref_slice %arg2[%dma_wait3A_130, %dma_wait3A_131] : memref<5x16384xf32, #tpu.memory_space<hbm>> -> memref<1x16384xf32, #tpu.memory_space<hbm>>
    %dma_wait3A_133 = arith.constant 2 : i32
    %dma_wait3A_134 = arith.constant 0 : i32
    %dma_wait3A_135 = tpu.memref_slice %arg2[%dma_wait3A_133, %dma_wait3A_134] : memref<5x16384xf32, #tpu.memory_space<hbm>> -> memref<1x16384xf32, #tpu.memory_space<hbm>>
    tpu.wait_dma2 semaphore(%arg21 : memref<!tpu.dma_semaphore, #tpu.memory_space<semaphore_mem>>) src(%dma_wait3A_135 : memref<1x16384xf32, #tpu.memory_space<hbm>>) dst(%arg7 : memref<1x16384xf32, #tpu.memory_space<vmem>>)
    %dma_wait3A_136 = arith.constant 3 : i32
    %dma_wait3A_137 = arith.constant 0 : i32
    %dma_wait3A_138 = tpu.memref_slice %arg2[%dma_wait3A_136, %dma_wait3A_137] : memref<5x16384xf32, #tpu.memory_space<hbm>> -> memref<1x16384xf32, #tpu.memory_space<hbm>>
    %dma_wait3A_139 = arith.constant 3 : i32
    %dma_wait3A_140 = arith.constant 0 : i32
    %dma_wait3A_141 = tpu.memref_slice %arg2[%dma_wait3A_139, %dma_wait3A_140] : memref<5x16384xf32, #tpu.memory_space<hbm>> -> memref<1x16384xf32, #tpu.memory_space<hbm>>
    tpu.wait_dma2 semaphore(%arg21 : memref<!tpu.dma_semaphore, #tpu.memory_space<semaphore_mem>>) src(%dma_wait3A_141 : memref<1x16384xf32, #tpu.memory_space<hbm>>) dst(%arg8 : memref<1x16384xf32, #tpu.memory_space<vmem>>)
    %dma_wait3A_142 = arith.constant 4 : i32
    %dma_wait3A_143 = arith.constant 0 : i32
    %dma_wait3A_144 = tpu.memref_slice %arg2[%dma_wait3A_142, %dma_wait3A_143] : memref<5x16384xf32, #tpu.memory_space<hbm>> -> memref<1x16384xf32, #tpu.memory_space<hbm>>
    %dma_wait3A_145 = arith.constant 4 : i32
    %dma_wait3A_146 = arith.constant 0 : i32
    %dma_wait3A_147 = tpu.memref_slice %arg2[%dma_wait3A_145, %dma_wait3A_146] : memref<5x16384xf32, #tpu.memory_space<hbm>> -> memref<1x16384xf32, #tpu.memory_space<hbm>>
    tpu.wait_dma2 semaphore(%arg21 : memref<!tpu.dma_semaphore, #tpu.memory_space<semaphore_mem>>) src(%dma_wait3A_147 : memref<1x16384xf32, #tpu.memory_space<hbm>>) dst(%arg9 : memref<1x16384xf32, #tpu.memory_space<vmem>>)
    %dma_wait3A_148 = arith.constant 0 : i32
    %dma_wait3A_149 = arith.constant 0 : i32
    %dma_wait3A_150 = tpu.memref_slice %arg3[%dma_wait3A_148, %add3A_30, %dma_wait3A_149] : memref<5x512x512xi32, #tpu.memory_space<hbm>> -> memref<1x8x512xi32, #tpu.memory_space<hbm>>
    %dma_wait3A_151 = tpu.memref_squeeze %dma_wait3A_150 : memref<1x8x512xi32, #tpu.memory_space<hbm>> -> memref<8x512xi32, #tpu.memory_space<hbm>>
    %dma_wait3A_152 = arith.constant 0 : i32
    %dma_wait3A_153 = tpu.memref_slice %arg3[%dma_wait3A_148, %add3A_30, %dma_wait3A_152] : memref<5x512x512xi32, #tpu.memory_space<hbm>> -> memref<1x8x512xi32, #tpu.memory_space<hbm>>
    %dma_wait3A_154 = tpu.memref_squeeze %dma_wait3A_153 : memref<1x8x512xi32, #tpu.memory_space<hbm>> -> memref<8x512xi32, #tpu.memory_space<hbm>>
    tpu.wait_dma2 semaphore(%arg22 : memref<!tpu.dma_semaphore, #tpu.memory_space<semaphore_mem>>) src(%dma_wait3A_154 : memref<8x512xi32, #tpu.memory_space<hbm>>) dst(%arg10 : memref<8x512xi32, #tpu.memory_space<vmem>>)
    %dma_wait3A_155 = arith.constant 1 : i32
    %dma_wait3A_156 = arith.constant 0 : i32
    %dma_wait3A_157 = tpu.memref_slice %arg3[%dma_wait3A_155, %add3A_39, %dma_wait3A_156] : memref<5x512x512xi32, #tpu.memory_space<hbm>> -> memref<1x8x512xi32, #tpu.memory_space<hbm>>
    %dma_wait3A_158 = tpu.memref_squeeze %dma_wait3A_157 : memref<1x8x512xi32, #tpu.memory_space<hbm>> -> memref<8x512xi32, #tpu.memory_space<hbm>>
    %dma_wait3A_159 = arith.constant 0 : i32
    %dma_wait3A_160 = tpu.memref_slice %arg3[%dma_wait3A_155, %add3A_39, %dma_wait3A_159] : memref<5x512x512xi32, #tpu.memory_space<hbm>> -> memref<1x8x512xi32, #tpu.memory_space<hbm>>
    %dma_wait3A_161 = tpu.memref_squeeze %dma_wait3A_160 : memref<1x8x512xi32, #tpu.memory_space<hbm>> -> memref<8x512xi32, #tpu.memory_space<hbm>>
    tpu.wait_dma2 semaphore(%arg22 : memref<!tpu.dma_semaphore, #tpu.memory_space<semaphore_mem>>) src(%dma_wait3A_161 : memref<8x512xi32, #tpu.memory_space<hbm>>) dst(%arg11 : memref<8x512xi32, #tpu.memory_space<vmem>>)
    %dma_wait3A_162 = arith.constant 2 : i32
    %dma_wait3A_163 = arith.constant 0 : i32
    %dma_wait3A_164 = tpu.memref_slice %arg3[%dma_wait3A_162, %add3A_48, %dma_wait3A_163] : memref<5x512x512xi32, #tpu.memory_space<hbm>> -> memref<1x8x512xi32, #tpu.memory_space<hbm>>
    %dma_wait3A_165 = tpu.memref_squeeze %dma_wait3A_164 : memref<1x8x512xi32, #tpu.memory_space<hbm>> -> memref<8x512xi32, #tpu.memory_space<hbm>>
    %dma_wait3A_166 = arith.constant 0 : i32
    %dma_wait3A_167 = tpu.memref_slice %arg3[%dma_wait3A_162, %add3A_48, %dma_wait3A_166] : memref<5x512x512xi32, #tpu.memory_space<hbm>> -> memref<1x8x512xi32, #tpu.memory_space<hbm>>
    %dma_wait3A_168 = tpu.memref_squeeze %dma_wait3A_167 : memref<1x8x512xi32, #tpu.memory_space<hbm>> -> memref<8x512xi32, #tpu.memory_space<hbm>>
    tpu.wait_dma2 semaphore(%arg22 : memref<!tpu.dma_semaphore, #tpu.memory_space<semaphore_mem>>) src(%dma_wait3A_168 : memref<8x512xi32, #tpu.memory_space<hbm>>) dst(%arg12 : memref<8x512xi32, #tpu.memory_space<vmem>>)
    %dma_wait3A_169 = arith.constant 3 : i32
    %dma_wait3A_170 = arith.constant 0 : i32
    %dma_wait3A_171 = tpu.memref_slice %arg3[%dma_wait3A_169, %add3A_57, %dma_wait3A_170] : memref<5x512x512xi32, #tpu.memory_space<hbm>> -> memref<1x8x512xi32, #tpu.memory_space<hbm>>
    %dma_wait3A_172 = tpu.memref_squeeze %dma_wait3A_171 : memref<1x8x512xi32, #tpu.memory_space<hbm>> -> memref<8x512xi32, #tpu.memory_space<hbm>>
    %dma_wait3A_173 = arith.constant 0 : i32
    %dma_wait3A_174 = tpu.memref_slice %arg3[%dma_wait3A_169, %add3A_57, %dma_wait3A_173] : memref<5x512x512xi32, #tpu.memory_space<hbm>> -> memref<1x8x512xi32, #tpu.memory_space<hbm>>
    %dma_wait3A_175 = tpu.memref_squeeze %dma_wait3A_174 : memref<1x8x512xi32, #tpu.memory_space<hbm>> -> memref<8x512xi32, #tpu.memory_space<hbm>>
    tpu.wait_dma2 semaphore(%arg22 : memref<!tpu.dma_semaphore, #tpu.memory_space<semaphore_mem>>) src(%dma_wait3A_175 : memref<8x512xi32, #tpu.memory_space<hbm>>) dst(%arg13 : memref<8x512xi32, #tpu.memory_space<vmem>>)
    %dma_wait3A_176 = arith.constant 4 : i32
    %dma_wait3A_177 = arith.constant 0 : i32
    %dma_wait3A_178 = tpu.memref_slice %arg3[%dma_wait3A_176, %add3A_66, %dma_wait3A_177] : memref<5x512x512xi32, #tpu.memory_space<hbm>> -> memref<1x8x512xi32, #tpu.memory_space<hbm>>
    %dma_wait3A_179 = tpu.memref_squeeze %dma_wait3A_178 : memref<1x8x512xi32, #tpu.memory_space<hbm>> -> memref<8x512xi32, #tpu.memory_space<hbm>>
    %dma_wait3A_180 = arith.constant 0 : i32
    %dma_wait3A_181 = tpu.memref_slice %arg3[%dma_wait3A_176, %add3A_66, %dma_wait3A_180] : memref<5x512x512xi32, #tpu.memory_space<hbm>> -> memref<1x8x512xi32, #tpu.memory_space<hbm>>
    %dma_wait3A_182 = tpu.memref_squeeze %dma_wait3A_181 : memref<1x8x512xi32, #tpu.memory_space<hbm>> -> memref<8x512xi32, #tpu.memory_space<hbm>>
    tpu.wait_dma2 semaphore(%arg22 : memref<!tpu.dma_semaphore, #tpu.memory_space<semaphore_mem>>) src(%dma_wait3A_182 : memref<8x512xi32, #tpu.memory_space<hbm>>) dst(%arg14 : memref<8x512xi32, #tpu.memory_space<vmem>>)
    %parallel_loop3A = arith.constant 0 : i32
    %parallel_loop3A_183 = arith.constant 256 : i32
    %parallel_loop3A_184 = arith.constant 1 : i32
    %parallel_loop3A_185 = arith.constant 2.000000e-01 : f32
    scf.for %parallel_loop3A_433 = %parallel_loop3A to %parallel_loop3A_183 step %parallel_loop3A_184  : i32 {
      %parallel_loop3A_434 = arith.constant 32 : i32
      %parallel_loop3A_435 = arith.divsi %parallel_loop3A_433, %parallel_loop3A_434 : i32
      %parallel_loop3A_436 = arith.constant 0 : i32
      %parallel_loop3A_437 = arith.cmpi sgt, %parallel_loop3A_433, %parallel_loop3A_436 : i32
      %parallel_loop3A_438 = arith.extui %parallel_loop3A_437 : i1 to i32
      %parallel_loop3A_439 = arith.constant 0 : i32
      %parallel_loop3A_440 = arith.cmpi slt, %parallel_loop3A_433, %parallel_loop3A_439 : i32
      %parallel_loop3A_441 = arith.extui %parallel_loop3A_440 : i1 to i32
      %parallel_loop3A_442 = arith.subi %parallel_loop3A_438, %parallel_loop3A_441 : i32
      %parallel_loop3A_443 = arith.constant 0 : i32
      %parallel_loop3A_444 = arith.cmpi sgt, %parallel_loop3A_434, %parallel_loop3A_443 : i32
      %parallel_loop3A_445 = arith.extui %parallel_loop3A_444 : i1 to i32
      %parallel_loop3A_446 = arith.constant 0 : i32
      %parallel_loop3A_447 = arith.cmpi slt, %parallel_loop3A_434, %parallel_loop3A_446 : i32
      %parallel_loop3A_448 = arith.extui %parallel_loop3A_447 : i1 to i32
      %parallel_loop3A_449 = arith.subi %parallel_loop3A_445, %parallel_loop3A_448 : i32
      %parallel_loop3A_450 = arith.cmpi ne, %parallel_loop3A_442, %parallel_loop3A_449 : i32
      %parallel_loop3A_451 = arith.remsi %parallel_loop3A_433, %parallel_loop3A_434 : i32
      %parallel_loop3A_452 = arith.constant 0 : i32
      %parallel_loop3A_453 = arith.cmpi ne, %parallel_loop3A_451, %parallel_loop3A_452 : i32
      %parallel_loop3A_454 = arith.andi %parallel_loop3A_450, %parallel_loop3A_453 : i1
      %parallel_loop3A_455 = arith.constant 1 : i32
      %parallel_loop3A_456 = arith.subi %parallel_loop3A_435, %parallel_loop3A_455 : i32
      %parallel_loop3A_457 = arith.select %parallel_loop3A_454, %parallel_loop3A_456, %parallel_loop3A_435 : i32
      %parallel_loop3A_458 = arith.constant 32 : i32
      %parallel_loop3A_459 = arith.constant 0 : i32
      %parallel_loop3A_460 = arith.cmpi eq, %parallel_loop3A_458, %parallel_loop3A_459 : i32
      %parallel_loop3A_461 = arith.constant 1 : i32
      %parallel_loop3A_462 = arith.select %parallel_loop3A_460, %parallel_loop3A_461, %parallel_loop3A_458 : i32
      %parallel_loop3A_463 = arith.remsi %parallel_loop3A_433, %parallel_loop3A_462 : i32
      %parallel_loop3A_464 = arith.constant 0 : i32
      %parallel_loop3A_465 = arith.cmpi ne, %parallel_loop3A_463, %parallel_loop3A_464 : i32
      %parallel_loop3A_466 = arith.constant 0 : i32
      %parallel_loop3A_467 = arith.cmpi slt, %parallel_loop3A_463, %parallel_loop3A_466 : i32
      %parallel_loop3A_468 = arith.constant 0 : i32
      %parallel_loop3A_469 = arith.cmpi slt, %parallel_loop3A_462, %parallel_loop3A_468 : i32
      %parallel_loop3A_470 = arith.xori %parallel_loop3A_467, %parallel_loop3A_469 : i1
      %parallel_loop3A_471 = arith.andi %parallel_loop3A_470, %parallel_loop3A_465 : i1
      %parallel_loop3A_472 = arith.addi %parallel_loop3A_463, %parallel_loop3A_462 : i32
      %parallel_loop3A_473 = arith.select %parallel_loop3A_471, %parallel_loop3A_472, %parallel_loop3A_463 : i32
      %parallel_loop3A_474 = arith.constant 16 : i32
      %parallel_loop3A_475 = arith.muli %parallel_loop3A_473, %parallel_loop3A_474 : i32
      %parallel_loop3A_476 = arith.constant 0.000000e+00 : f32
      %parallel_loop3A_477 = vector.broadcast %parallel_loop3A_476 : f32 to vector<16xf32>
      %parallel_loop3A_478 = arith.constant 0 : i32
      %parallel_loop3A_479 = vector.broadcast %parallel_loop3A_478 : i32 to vector<16xi32>
      %parallel_loop3A_480 = arith.index_cast %parallel_loop3A_457 : i32 to index
      %parallel_loop3A_481 = arith.index_cast %parallel_loop3A_475 : i32 to index
      %parallel_loop3A_482 = tpu.vector_load %arg10[%parallel_loop3A_480, %parallel_loop3A_481] {strides = array<i32>} : memref<8x512xi32, #tpu.memory_space<vmem>>, vector<16xi32>,
      %parallel_loop3A_483 = tpu.vector_load_idx %arg5[%parallel_loop3A_479, %parallel_loop3A_482] : memref<1x16384xf32, #tpu.memory_space<vmem>>[vector<16xi32>, vector<16xi32>], vector<16xf32>,
      %parallel_loop3A_484 = arith.addf %parallel_loop3A_477, %parallel_loop3A_483 : vector<16xf32>
      %parallel_loop3A_485 = arith.index_cast %parallel_loop3A_457 : i32 to index
      %parallel_loop3A_486 = arith.index_cast %parallel_loop3A_475 : i32 to index
      %parallel_loop3A_487 = tpu.vector_load %arg11[%parallel_loop3A_485, %parallel_loop3A_486] {strides = array<i32>} : memref<8x512xi32, #tpu.memory_space<vmem>>, vector<16xi32>,
      %parallel_loop3A_488 = tpu.vector_load_idx %arg6[%parallel_loop3A_479, %parallel_loop3A_487] : memref<1x16384xf32, #tpu.memory_space<vmem>>[vector<16xi32>, vector<16xi32>], vector<16xf32>,
      %parallel_loop3A_489 = arith.addf %parallel_loop3A_484, %parallel_loop3A_488 : vector<16xf32>
      %parallel_loop3A_490 = arith.index_cast %parallel_loop3A_457 : i32 to index
      %parallel_loop3A_491 = arith.index_cast %parallel_loop3A_475 : i32 to index
      %parallel_loop3A_492 = tpu.vector_load %arg12[%parallel_loop3A_490, %parallel_loop3A_491] {strides = array<i32>} : memref<8x512xi32, #tpu.memory_space<vmem>>, vector<16xi32>,
      %parallel_loop3A_493 = tpu.vector_load_idx %arg7[%parallel_loop3A_479, %parallel_loop3A_492] : memref<1x16384xf32, #tpu.memory_space<vmem>>[vector<16xi32>, vector<16xi32>], vector<16xf32>,
      %parallel_loop3A_494 = arith.addf %parallel_loop3A_489, %parallel_loop3A_493 : vector<16xf32>
      %parallel_loop3A_495 = arith.index_cast %parallel_loop3A_457 : i32 to index
      %parallel_loop3A_496 = arith.index_cast %parallel_loop3A_475 : i32 to index
      %parallel_loop3A_497 = tpu.vector_load %arg13[%parallel_loop3A_495, %parallel_loop3A_496] {strides = array<i32>} : memref<8x512xi32, #tpu.memory_space<vmem>>, vector<16xi32>,
      %parallel_loop3A_498 = tpu.vector_load_idx %arg8[%parallel_loop3A_479, %parallel_loop3A_497] : memref<1x16384xf32, #tpu.memory_space<vmem>>[vector<16xi32>, vector<16xi32>], vector<16xf32>,
      %parallel_loop3A_499 = arith.addf %parallel_loop3A_494, %parallel_loop3A_498 : vector<16xf32>
      %parallel_loop3A_500 = arith.index_cast %parallel_loop3A_457 : i32 to index
      %parallel_loop3A_501 = arith.index_cast %parallel_loop3A_475 : i32 to index
      %parallel_loop3A_502 = tpu.vector_load %arg14[%parallel_loop3A_500, %parallel_loop3A_501] {strides = array<i32>} : memref<8x512xi32, #tpu.memory_space<vmem>>, vector<16xi32>,
      %parallel_loop3A_503 = tpu.vector_load_idx %arg9[%parallel_loop3A_479, %parallel_loop3A_502] : memref<1x16384xf32, #tpu.memory_space<vmem>>[vector<16xi32>, vector<16xi32>], vector<16xf32>,
      %parallel_loop3A_504 = arith.addf %parallel_loop3A_499, %parallel_loop3A_503 : vector<16xf32>
      %parallel_loop3A_505 = vector.broadcast %parallel_loop3A_185 : f32 to vector<16xf32>
      %parallel_loop3A_506 = arith.mulf %parallel_loop3A_504, %parallel_loop3A_505 : vector<16xf32>
      %parallel_loop3A_507 = arith.index_cast %parallel_loop3A_457 : i32 to index
      %parallel_loop3A_508 = arith.index_cast %parallel_loop3A_475 : i32 to index
      %parallel_loop3A_509 = tpu.vector_load %arg20[%parallel_loop3A_507, %parallel_loop3A_508] {strides = array<i32>} : memref<8x512xf32, #tpu.memory_space<vmem>>, vector<16xf32>,
      tpu.vector_store %arg20[%parallel_loop3A_507, %parallel_loop3A_508], %parallel_loop3A_506 {strides = array<i32>} : memref<8x512xf32, #tpu.memory_space<vmem>>, vector<16xf32>,
    } {sc.loop_unroll_factor = 2 : i64, sc.parallel_access}
    %add3A_186 = arith.constant 16 : i32
    %add3A_187 = arith.addi %mul3A_0, %add3A_186 : i32
    %dma_start3A_188 = arith.constant 0 : i32
    %dma_start3A_189 = arith.constant 0 : i32
    %dma_start3A_190 = tpu.memref_slice %arg3[%dma_start3A_188, %add3A_187, %dma_start3A_189] : memref<5x512x512xi32, #tpu.memory_space<hbm>> -> memref<1x8x512xi32, #tpu.memory_space<hbm>>
    %dma_start3A_191 = tpu.memref_squeeze %dma_start3A_190 : memref<1x8x512xi32, #tpu.memory_space<hbm>> -> memref<8x512xi32, #tpu.memory_space<hbm>>
    %dma_start3A_192 = arith.constant 0 : i32
    %dma_start3A_193 = tpu.memref_slice %arg3[%dma_start3A_188, %add3A_187, %dma_start3A_192] : memref<5x512x512xi32, #tpu.memory_space<hbm>> -> memref<1x8x512xi32, #tpu.memory_space<hbm>>
    %dma_start3A_194 = tpu.memref_squeeze %dma_start3A_193 : memref<1x8x512xi32, #tpu.memory_space<hbm>> -> memref<8x512xi32, #tpu.memory_space<hbm>>
    tpu.enqueue_dma source(%dma_start3A_194 : memref<8x512xi32, #tpu.memory_space<hbm>>) target(%arg10 : memref<8x512xi32, #tpu.memory_space<vmem>>) target_semaphore(%arg22 : memref<!tpu.dma_semaphore, #tpu.memory_space<semaphore_mem>>)
    %add3A_195 = arith.constant 16 : i32
    %add3A_196 = arith.addi %mul3A_0, %add3A_195 : i32
    %dma_start3A_197 = arith.constant 1 : i32
    %dma_start3A_198 = arith.constant 0 : i32
    %dma_start3A_199 = tpu.memref_slice %arg3[%dma_start3A_197, %add3A_196, %dma_start3A_198] : memref<5x512x512xi32, #tpu.memory_space<hbm>> -> memref<1x8x512xi32, #tpu.memory_space<hbm>>
    %dma_start3A_200 = tpu.memref_squeeze %dma_start3A_199 : memref<1x8x512xi32, #tpu.memory_space<hbm>> -> memref<8x512xi32, #tpu.memory_space<hbm>>
    %dma_start3A_201 = arith.constant 0 : i32
    %dma_start3A_202 = tpu.memref_slice %arg3[%dma_start3A_197, %add3A_196, %dma_start3A_201] : memref<5x512x512xi32, #tpu.memory_space<hbm>> -> memref<1x8x512xi32, #tpu.memory_space<hbm>>
    %dma_start3A_203 = tpu.memref_squeeze %dma_start3A_202 : memref<1x8x512xi32, #tpu.memory_space<hbm>> -> memref<8x512xi32, #tpu.memory_space<hbm>>
    tpu.enqueue_dma source(%dma_start3A_203 : memref<8x512xi32, #tpu.memory_space<hbm>>) target(%arg11 : memref<8x512xi32, #tpu.memory_space<vmem>>) target_semaphore(%arg22 : memref<!tpu.dma_semaphore, #tpu.memory_space<semaphore_mem>>)
    %add3A_204 = arith.constant 16 : i32
    %add3A_205 = arith.addi %mul3A_0, %add3A_204 : i32
    %dma_start3A_206 = arith.constant 2 : i32
    %dma_start3A_207 = arith.constant 0 : i32
    %dma_start3A_208 = tpu.memref_slice %arg3[%dma_start3A_206, %add3A_205, %dma_start3A_207] : memref<5x512x512xi32, #tpu.memory_space<hbm>> -> memref<1x8x512xi32, #tpu.memory_space<hbm>>
    %dma_start3A_209 = tpu.memref_squeeze %dma_start3A_208 : memref<1x8x512xi32, #tpu.memory_space<hbm>> -> memref<8x512xi32, #tpu.memory_space<hbm>>
    %dma_start3A_210 = arith.constant 0 : i32
    %dma_start3A_211 = tpu.memref_slice %arg3[%dma_start3A_206, %add3A_205, %dma_start3A_210] : memref<5x512x512xi32, #tpu.memory_space<hbm>> -> memref<1x8x512xi32, #tpu.memory_space<hbm>>
    %dma_start3A_212 = tpu.memref_squeeze %dma_start3A_211 : memref<1x8x512xi32, #tpu.memory_space<hbm>> -> memref<8x512xi32, #tpu.memory_space<hbm>>
    tpu.enqueue_dma source(%dma_start3A_212 : memref<8x512xi32, #tpu.memory_space<hbm>>) target(%arg12 : memref<8x512xi32, #tpu.memory_space<vmem>>) target_semaphore(%arg22 : memref<!tpu.dma_semaphore, #tpu.memory_space<semaphore_mem>>)
    %add3A_213 = arith.constant 16 : i32
    %add3A_214 = arith.addi %mul3A_0, %add3A_213 : i32
    %dma_start3A_215 = arith.constant 3 : i32
    %dma_start3A_216 = arith.constant 0 : i32
    %dma_start3A_217 = tpu.memref_slice %arg3[%dma_start3A_215, %add3A_214, %dma_start3A_216] : memref<5x512x512xi32, #tpu.memory_space<hbm>> -> memref<1x8x512xi32, #tpu.memory_space<hbm>>
    %dma_start3A_218 = tpu.memref_squeeze %dma_start3A_217 : memref<1x8x512xi32, #tpu.memory_space<hbm>> -> memref<8x512xi32, #tpu.memory_space<hbm>>
    %dma_start3A_219 = arith.constant 0 : i32
    %dma_start3A_220 = tpu.memref_slice %arg3[%dma_start3A_215, %add3A_214, %dma_start3A_219] : memref<5x512x512xi32, #tpu.memory_space<hbm>> -> memref<1x8x512xi32, #tpu.memory_space<hbm>>
    %dma_start3A_221 = tpu.memref_squeeze %dma_start3A_220 : memref<1x8x512xi32, #tpu.memory_space<hbm>> -> memref<8x512xi32, #tpu.memory_space<hbm>>
    tpu.enqueue_dma source(%dma_start3A_221 : memref<8x512xi32, #tpu.memory_space<hbm>>) target(%arg13 : memref<8x512xi32, #tpu.memory_space<vmem>>) target_semaphore(%arg22 : memref<!tpu.dma_semaphore, #tpu.memory_space<semaphore_mem>>)
    %add3A_222 = arith.constant 16 : i32
    %add3A_223 = arith.addi %mul3A_0, %add3A_222 : i32
    %dma_start3A_224 = arith.constant 4 : i32
    %dma_start3A_225 = arith.constant 0 : i32
    %dma_start3A_226 = tpu.memref_slice %arg3[%dma_start3A_224, %add3A_223, %dma_start3A_225] : memref<5x512x512xi32, #tpu.memory_space<hbm>> -> memref<1x8x512xi32, #tpu.memory_space<hbm>>
    %dma_start3A_227 = tpu.memref_squeeze %dma_start3A_226 : memref<1x8x512xi32, #tpu.memory_space<hbm>> -> memref<8x512xi32, #tpu.memory_space<hbm>>
    %dma_start3A_228 = arith.constant 0 : i32
    %dma_start3A_229 = tpu.memref_slice %arg3[%dma_start3A_224, %add3A_223, %dma_start3A_228] : memref<5x512x512xi32, #tpu.memory_space<hbm>> -> memref<1x8x512xi32, #tpu.memory_space<hbm>>
    %dma_start3A_230 = tpu.memref_squeeze %dma_start3A_229 : memref<1x8x512xi32, #tpu.memory_space<hbm>> -> memref<8x512xi32, #tpu.memory_space<hbm>>
    tpu.enqueue_dma source(%dma_start3A_230 : memref<8x512xi32, #tpu.memory_space<hbm>>) target(%arg14 : memref<8x512xi32, #tpu.memory_space<vmem>>) target_semaphore(%arg22 : memref<!tpu.dma_semaphore, #tpu.memory_space<semaphore_mem>>)
    %add3A_231 = arith.constant 0 : i32
    %add3A_232 = arith.addi %mul3A_0, %add3A_231 : i32
    %dma_start3A_233 = arith.constant 0 : i32
    %dma_start3A_234 = tpu.memref_slice %arg4[%add3A_232, %dma_start3A_233] : memref<512x512xf32, #tpu.memory_space<hbm>> -> memref<8x512xf32, #tpu.memory_space<hbm>>
    %dma_start3A_235 = arith.constant 0 : i32
    %dma_start3A_236 = tpu.memref_slice %arg4[%add3A_232, %dma_start3A_235] : memref<512x512xf32, #tpu.memory_space<hbm>> -> memref<8x512xf32, #tpu.memory_space<hbm>>
    tpu.enqueue_dma source(%arg20 : memref<8x512xf32, #tpu.memory_space<vmem>>) target(%dma_start3A_236 : memref<8x512xf32, #tpu.memory_space<hbm>>) target_semaphore(%arg23 : memref<!tpu.dma_semaphore, #tpu.memory_space<semaphore_mem>>)
    %dma_wait3A_237 = arith.constant 0 : i32
    %dma_wait3A_238 = arith.constant 0 : i32
    %dma_wait3A_239 = tpu.memref_slice %arg3[%dma_wait3A_237, %add3A_75, %dma_wait3A_238] : memref<5x512x512xi32, #tpu.memory_space<hbm>> -> memref<1x8x512xi32, #tpu.memory_space<hbm>>
    %dma_wait3A_240 = tpu.memref_squeeze %dma_wait3A_239 : memref<1x8x512xi32, #tpu.memory_space<hbm>> -> memref<8x512xi32, #tpu.memory_space<hbm>>
    %dma_wait3A_241 = arith.constant 0 : i32
    %dma_wait3A_242 = tpu.memref_slice %arg3[%dma_wait3A_237, %add3A_75, %dma_wait3A_241] : memref<5x512x512xi32, #tpu.memory_space<hbm>> -> memref<1x8x512xi32, #tpu.memory_space<hbm>>
    %dma_wait3A_243 = tpu.memref_squeeze %dma_wait3A_242 : memref<1x8x512xi32, #tpu.memory_space<hbm>> -> memref<8x512xi32, #tpu.memory_space<hbm>>
    tpu.wait_dma2 semaphore(%arg22 : memref<!tpu.dma_semaphore, #tpu.memory_space<semaphore_mem>>) src(%dma_wait3A_243 : memref<8x512xi32, #tpu.memory_space<hbm>>) dst(%arg15 : memref<8x512xi32, #tpu.memory_space<vmem>>)
    %dma_wait3A_244 = arith.constant 1 : i32
    %dma_wait3A_245 = arith.constant 0 : i32
    %dma_wait3A_246 = tpu.memref_slice %arg3[%dma_wait3A_244, %add3A_84, %dma_wait3A_245] : memref<5x512x512xi32, #tpu.memory_space<hbm>> -> memref<1x8x512xi32, #tpu.memory_space<hbm>>
    %dma_wait3A_247 = tpu.memref_squeeze %dma_wait3A_246 : memref<1x8x512xi32, #tpu.memory_space<hbm>> -> memref<8x512xi32, #tpu.memory_space<hbm>>
    %dma_wait3A_248 = arith.constant 0 : i32
    %dma_wait3A_249 = tpu.memref_slice %arg3[%dma_wait3A_244, %add3A_84, %dma_wait3A_248] : memref<5x512x512xi32, #tpu.memory_space<hbm>> -> memref<1x8x512xi32, #tpu.memory_space<hbm>>
    %dma_wait3A_250 = tpu.memref_squeeze %dma_wait3A_249 : memref<1x8x512xi32, #tpu.memory_space<hbm>> -> memref<8x512xi32, #tpu.memory_space<hbm>>
    tpu.wait_dma2 semaphore(%arg22 : memref<!tpu.dma_semaphore, #tpu.memory_space<semaphore_mem>>) src(%dma_wait3A_250 : memref<8x512xi32, #tpu.memory_space<hbm>>) dst(%arg16 : memref<8x512xi32, #tpu.memory_space<vmem>>)
    %dma_wait3A_251 = arith.constant 2 : i32
    %dma_wait3A_252 = arith.constant 0 : i32
    %dma_wait3A_253 = tpu.memref_slice %arg3[%dma_wait3A_251, %add3A_93, %dma_wait3A_252] : memref<5x512x512xi32, #tpu.memory_space<hbm>> -> memref<1x8x512xi32, #tpu.memory_space<hbm>>
    %dma_wait3A_254 = tpu.memref_squeeze %dma_wait3A_253 : memref<1x8x512xi32, #tpu.memory_space<hbm>> -> memref<8x512xi32, #tpu.memory_space<hbm>>
    %dma_wait3A_255 = arith.constant 0 : i32
    %dma_wait3A_256 = tpu.memref_slice %arg3[%dma_wait3A_251, %add3A_93, %dma_wait3A_255] : memref<5x512x512xi32, #tpu.memory_space<hbm>> -> memref<1x8x512xi32, #tpu.memory_space<hbm>>
    %dma_wait3A_257 = tpu.memref_squeeze %dma_wait3A_256 : memref<1x8x512xi32, #tpu.memory_space<hbm>> -> memref<8x512xi32, #tpu.memory_space<hbm>>
    tpu.wait_dma2 semaphore(%arg22 : memref<!tpu.dma_semaphore, #tpu.memory_space<semaphore_mem>>) src(%dma_wait3A_257 : memref<8x512xi32, #tpu.memory_space<hbm>>) dst(%arg17 : memref<8x512xi32, #tpu.memory_space<vmem>>)
    %dma_wait3A_258 = arith.constant 3 : i32
    %dma_wait3A_259 = arith.constant 0 : i32
    %dma_wait3A_260 = tpu.memref_slice %arg3[%dma_wait3A_258, %add3A_102, %dma_wait3A_259] : memref<5x512x512xi32, #tpu.memory_space<hbm>> -> memref<1x8x512xi32, #tpu.memory_space<hbm>>
    %dma_wait3A_261 = tpu.memref_squeeze %dma_wait3A_260 : memref<1x8x512xi32, #tpu.memory_space<hbm>> -> memref<8x512xi32, #tpu.memory_space<hbm>>
    %dma_wait3A_262 = arith.constant 0 : i32
    %dma_wait3A_263 = tpu.memref_slice %arg3[%dma_wait3A_258, %add3A_102, %dma_wait3A_262] : memref<5x512x512xi32, #tpu.memory_space<hbm>> -> memref<1x8x512xi32, #tpu.memory_space<hbm>>
    %dma_wait3A_264 = tpu.memref_squeeze %dma_wait3A_263 : memref<1x8x512xi32, #tpu.memory_space<hbm>> -> memref<8x512xi32, #tpu.memory_space<hbm>>
    tpu.wait_dma2 semaphore(%arg22 : memref<!tpu.dma_semaphore, #tpu.memory_space<semaphore_mem>>) src(%dma_wait3A_264 : memref<8x512xi32, #tpu.memory_space<hbm>>) dst(%arg18 : memref<8x512xi32, #tpu.memory_space<vmem>>)
    %dma_wait3A_265 = arith.constant 4 : i32
    %dma_wait3A_266 = arith.constant 0 : i32
    %dma_wait3A_267 = tpu.memref_slice %arg3[%dma_wait3A_265, %add3A_111, %dma_wait3A_266] : memref<5x512x512xi32, #tpu.memory_space<hbm>> -> memref<1x8x512xi32, #tpu.memory_space<hbm>>
    %dma_wait3A_268 = tpu.memref_squeeze %dma_wait3A_267 : memref<1x8x512xi32, #tpu.memory_space<hbm>> -> memref<8x512xi32, #tpu.memory_space<hbm>>
    %dma_wait3A_269 = arith.constant 0 : i32
    %dma_wait3A_270 = tpu.memref_slice %arg3[%dma_wait3A_265, %add3A_111, %dma_wait3A_269] : memref<5x512x512xi32, #tpu.memory_space<hbm>> -> memref<1x8x512xi32, #tpu.memory_space<hbm>>
    %dma_wait3A_271 = tpu.memref_squeeze %dma_wait3A_270 : memref<1x8x512xi32, #tpu.memory_space<hbm>> -> memref<8x512xi32, #tpu.memory_space<hbm>>
    tpu.wait_dma2 semaphore(%arg22 : memref<!tpu.dma_semaphore, #tpu.memory_space<semaphore_mem>>) src(%dma_wait3A_271 : memref<8x512xi32, #tpu.memory_space<hbm>>) dst(%arg19 : memref<8x512xi32, #tpu.memory_space<vmem>>)
    %dma_wait3A_272 = arith.constant 0 : i32
    %dma_wait3A_273 = tpu.memref_slice %arg4[%add3A_232, %dma_wait3A_272] : memref<512x512xf32, #tpu.memory_space<hbm>> -> memref<8x512xf32, #tpu.memory_space<hbm>>
    %dma_wait3A_274 = arith.constant 0 : i32
    %dma_wait3A_275 = tpu.memref_slice %arg4[%add3A_232, %dma_wait3A_274] : memref<512x512xf32, #tpu.memory_space<hbm>> -> memref<8x512xf32, #tpu.memory_space<hbm>>
    tpu.wait_dma2 semaphore(%arg23 : memref<!tpu.dma_semaphore, #tpu.memory_space<semaphore_mem>>) src(%arg20 : memref<8x512xf32, #tpu.memory_space<vmem>>) dst(%dma_wait3A_275 : memref<8x512xf32, #tpu.memory_space<hbm>>)
    %parallel_loop3A_276 = arith.constant 0 : i32
    %parallel_loop3A_277 = arith.constant 256 : i32
    %parallel_loop3A_278 = arith.constant 1 : i32
    %parallel_loop3A_279 = arith.constant 2.000000e-01 : f32
    scf.for %parallel_loop3A_433 = %parallel_loop3A_276 to %parallel_loop3A_277 step %parallel_loop3A_278  : i32 {
      %parallel_loop3A_434 = arith.constant 32 : i32
      %parallel_loop3A_435 = arith.divsi %parallel_loop3A_433, %parallel_loop3A_434 : i32
      %parallel_loop3A_436 = arith.constant 0 : i32
      %parallel_loop3A_437 = arith.cmpi sgt, %parallel_loop3A_433, %parallel_loop3A_436 : i32
      %parallel_loop3A_438 = arith.extui %parallel_loop3A_437 : i1 to i32
      %parallel_loop3A_439 = arith.constant 0 : i32
      %parallel_loop3A_440 = arith.cmpi slt, %parallel_loop3A_433, %parallel_loop3A_439 : i32
      %parallel_loop3A_441 = arith.extui %parallel_loop3A_440 : i1 to i32
      %parallel_loop3A_442 = arith.subi %parallel_loop3A_438, %parallel_loop3A_441 : i32
      %parallel_loop3A_443 = arith.constant 0 : i32
      %parallel_loop3A_444 = arith.cmpi sgt, %parallel_loop3A_434, %parallel_loop3A_443 : i32
      %parallel_loop3A_445 = arith.extui %parallel_loop3A_444 : i1 to i32
      %parallel_loop3A_446 = arith.constant 0 : i32
      %parallel_loop3A_447 = arith.cmpi slt, %parallel_loop3A_434, %parallel_loop3A_446 : i32
      %parallel_loop3A_448 = arith.extui %parallel_loop3A_447 : i1 to i32
      %parallel_loop3A_449 = arith.subi %parallel_loop3A_445, %parallel_loop3A_448 : i32
      %parallel_loop3A_450 = arith.cmpi ne, %parallel_loop3A_442, %parallel_loop3A_449 : i32
      %parallel_loop3A_451 = arith.remsi %parallel_loop3A_433, %parallel_loop3A_434 : i32
      %parallel_loop3A_452 = arith.constant 0 : i32
      %parallel_loop3A_453 = arith.cmpi ne, %parallel_loop3A_451, %parallel_loop3A_452 : i32
      %parallel_loop3A_454 = arith.andi %parallel_loop3A_450, %parallel_loop3A_453 : i1
      %parallel_loop3A_455 = arith.constant 1 : i32
      %parallel_loop3A_456 = arith.subi %parallel_loop3A_435, %parallel_loop3A_455 : i32
      %parallel_loop3A_457 = arith.select %parallel_loop3A_454, %parallel_loop3A_456, %parallel_loop3A_435 : i32
      %parallel_loop3A_458 = arith.constant 32 : i32
      %parallel_loop3A_459 = arith.constant 0 : i32
      %parallel_loop3A_460 = arith.cmpi eq, %parallel_loop3A_458, %parallel_loop3A_459 : i32
      %parallel_loop3A_461 = arith.constant 1 : i32
      %parallel_loop3A_462 = arith.select %parallel_loop3A_460, %parallel_loop3A_461, %parallel_loop3A_458 : i32
      %parallel_loop3A_463 = arith.remsi %parallel_loop3A_433, %parallel_loop3A_462 : i32
      %parallel_loop3A_464 = arith.constant 0 : i32
      %parallel_loop3A_465 = arith.cmpi ne, %parallel_loop3A_463, %parallel_loop3A_464 : i32
      %parallel_loop3A_466 = arith.constant 0 : i32
      %parallel_loop3A_467 = arith.cmpi slt, %parallel_loop3A_463, %parallel_loop3A_466 : i32
      %parallel_loop3A_468 = arith.constant 0 : i32
      %parallel_loop3A_469 = arith.cmpi slt, %parallel_loop3A_462, %parallel_loop3A_468 : i32
      %parallel_loop3A_470 = arith.xori %parallel_loop3A_467, %parallel_loop3A_469 : i1
      %parallel_loop3A_471 = arith.andi %parallel_loop3A_470, %parallel_loop3A_465 : i1
      %parallel_loop3A_472 = arith.addi %parallel_loop3A_463, %parallel_loop3A_462 : i32
      %parallel_loop3A_473 = arith.select %parallel_loop3A_471, %parallel_loop3A_472, %parallel_loop3A_463 : i32
      %parallel_loop3A_474 = arith.constant 16 : i32
      %parallel_loop3A_475 = arith.muli %parallel_loop3A_473, %parallel_loop3A_474 : i32
      %parallel_loop3A_476 = arith.constant 0.000000e+00 : f32
      %parallel_loop3A_477 = vector.broadcast %parallel_loop3A_476 : f32 to vector<16xf32>
      %parallel_loop3A_478 = arith.constant 0 : i32
      %parallel_loop3A_479 = vector.broadcast %parallel_loop3A_478 : i32 to vector<16xi32>
      %parallel_loop3A_480 = arith.index_cast %parallel_loop3A_457 : i32 to index
      %parallel_loop3A_481 = arith.index_cast %parallel_loop3A_475 : i32 to index
      %parallel_loop3A_482 = tpu.vector_load %arg15[%parallel_loop3A_480, %parallel_loop3A_481] {strides = array<i32>} : memref<8x512xi32, #tpu.memory_space<vmem>>, vector<16xi32>,
      %parallel_loop3A_483 = tpu.vector_load_idx %arg5[%parallel_loop3A_479, %parallel_loop3A_482] : memref<1x16384xf32, #tpu.memory_space<vmem>>[vector<16xi32>, vector<16xi32>], vector<16xf32>,
      %parallel_loop3A_484 = arith.addf %parallel_loop3A_477, %parallel_loop3A_483 : vector<16xf32>
      %parallel_loop3A_485 = arith.index_cast %parallel_loop3A_457 : i32 to index
      %parallel_loop3A_486 = arith.index_cast %parallel_loop3A_475 : i32 to index
      %parallel_loop3A_487 = tpu.vector_load %arg16[%parallel_loop3A_485, %parallel_loop3A_486] {strides = array<i32>} : memref<8x512xi32, #tpu.memory_space<vmem>>, vector<16xi32>,
      %parallel_loop3A_488 = tpu.vector_load_idx %arg6[%parallel_loop3A_479, %parallel_loop3A_487] : memref<1x16384xf32, #tpu.memory_space<vmem>>[vector<16xi32>, vector<16xi32>], vector<16xf32>,
      %parallel_loop3A_489 = arith.addf %parallel_loop3A_484, %parallel_loop3A_488 : vector<16xf32>
      %parallel_loop3A_490 = arith.index_cast %parallel_loop3A_457 : i32 to index
      %parallel_loop3A_491 = arith.index_cast %parallel_loop3A_475 : i32 to index
      %parallel_loop3A_492 = tpu.vector_load %arg17[%parallel_loop3A_490, %parallel_loop3A_491] {strides = array<i32>} : memref<8x512xi32, #tpu.memory_space<vmem>>, vector<16xi32>,
      %parallel_loop3A_493 = tpu.vector_load_idx %arg7[%parallel_loop3A_479, %parallel_loop3A_492] : memref<1x16384xf32, #tpu.memory_space<vmem>>[vector<16xi32>, vector<16xi32>], vector<16xf32>,
      %parallel_loop3A_494 = arith.addf %parallel_loop3A_489, %parallel_loop3A_493 : vector<16xf32>
      %parallel_loop3A_495 = arith.index_cast %parallel_loop3A_457 : i32 to index
      %parallel_loop3A_496 = arith.index_cast %parallel_loop3A_475 : i32 to index
      %parallel_loop3A_497 = tpu.vector_load %arg18[%parallel_loop3A_495, %parallel_loop3A_496] {strides = array<i32>} : memref<8x512xi32, #tpu.memory_space<vmem>>, vector<16xi32>,
      %parallel_loop3A_498 = tpu.vector_load_idx %arg8[%parallel_loop3A_479, %parallel_loop3A_497] : memref<1x16384xf32, #tpu.memory_space<vmem>>[vector<16xi32>, vector<16xi32>], vector<16xf32>,
      %parallel_loop3A_499 = arith.addf %parallel_loop3A_494, %parallel_loop3A_498 : vector<16xf32>
      %parallel_loop3A_500 = arith.index_cast %parallel_loop3A_457 : i32 to index
      %parallel_loop3A_501 = arith.index_cast %parallel_loop3A_475 : i32 to index
      %parallel_loop3A_502 = tpu.vector_load %arg19[%parallel_loop3A_500, %parallel_loop3A_501] {strides = array<i32>} : memref<8x512xi32, #tpu.memory_space<vmem>>, vector<16xi32>,
      %parallel_loop3A_503 = tpu.vector_load_idx %arg9[%parallel_loop3A_479, %parallel_loop3A_502] : memref<1x16384xf32, #tpu.memory_space<vmem>>[vector<16xi32>, vector<16xi32>], vector<16xf32>,
      %parallel_loop3A_504 = arith.addf %parallel_loop3A_499, %parallel_loop3A_503 : vector<16xf32>
      %parallel_loop3A_505 = vector.broadcast %parallel_loop3A_279 : f32 to vector<16xf32>
      %parallel_loop3A_506 = arith.mulf %parallel_loop3A_504, %parallel_loop3A_505 : vector<16xf32>
      %parallel_loop3A_507 = arith.index_cast %parallel_loop3A_457 : i32 to index
      %parallel_loop3A_508 = arith.index_cast %parallel_loop3A_475 : i32 to index
      %parallel_loop3A_509 = tpu.vector_load %arg20[%parallel_loop3A_507, %parallel_loop3A_508] {strides = array<i32>} : memref<8x512xf32, #tpu.memory_space<vmem>>, vector<16xf32>,
      tpu.vector_store %arg20[%parallel_loop3A_507, %parallel_loop3A_508], %parallel_loop3A_506 {strides = array<i32>} : memref<8x512xf32, #tpu.memory_space<vmem>>, vector<16xf32>,
    } {sc.loop_unroll_factor = 2 : i64, sc.parallel_access}
    %add3A_280 = arith.constant 24 : i32
    %add3A_281 = arith.addi %mul3A_0, %add3A_280 : i32
    %dma_start3A_282 = arith.constant 0 : i32
    %dma_start3A_283 = arith.constant 0 : i32
    %dma_start3A_284 = tpu.memref_slice %arg3[%dma_start3A_282, %add3A_281, %dma_start3A_283] : memref<5x512x512xi32, #tpu.memory_space<hbm>> -> memref<1x8x512xi32, #tpu.memory_space<hbm>>
    %dma_start3A_285 = tpu.memref_squeeze %dma_start3A_284 : memref<1x8x512xi32, #tpu.memory_space<hbm>> -> memref<8x512xi32, #tpu.memory_space<hbm>>
    %dma_start3A_286 = arith.constant 0 : i32
    %dma_start3A_287 = tpu.memref_slice %arg3[%dma_start3A_282, %add3A_281, %dma_start3A_286] : memref<5x512x512xi32, #tpu.memory_space<hbm>> -> memref<1x8x512xi32, #tpu.memory_space<hbm>>
    %dma_start3A_288 = tpu.memref_squeeze %dma_start3A_287 : memref<1x8x512xi32, #tpu.memory_space<hbm>> -> memref<8x512xi32, #tpu.memory_space<hbm>>
    tpu.enqueue_dma source(%dma_start3A_288 : memref<8x512xi32, #tpu.memory_space<hbm>>) target(%arg15 : memref<8x512xi32, #tpu.memory_space<vmem>>) target_semaphore(%arg22 : memref<!tpu.dma_semaphore, #tpu.memory_space<semaphore_mem>>)
    %add3A_289 = arith.constant 24 : i32
    %add3A_290 = arith.addi %mul3A_0, %add3A_289 : i32
    %dma_start3A_291 = arith.constant 1 : i32
    %dma_start3A_292 = arith.constant 0 : i32
    %dma_start3A_293 = tpu.memref_slice %arg3[%dma_start3A_291, %add3A_290, %dma_start3A_292] : memref<5x512x512xi32, #tpu.memory_space<hbm>> -> memref<1x8x512xi32, #tpu.memory_space<hbm>>
    %dma_start3A_294 = tpu.memref_squeeze %dma_start3A_293 : memref<1x8x512xi32, #tpu.memory_space<hbm>> -> memref<8x512xi32, #tpu.memory_space<hbm>>
    %dma_start3A_295 = arith.constant 0 : i32
    %dma_start3A_296 = tpu.memref_slice %arg3[%dma_start3A_291, %add3A_290, %dma_start3A_295] : memref<5x512x512xi32, #tpu.memory_space<hbm>> -> memref<1x8x512xi32, #tpu.memory_space<hbm>>
    %dma_start3A_297 = tpu.memref_squeeze %dma_start3A_296 : memref<1x8x512xi32, #tpu.memory_space<hbm>> -> memref<8x512xi32, #tpu.memory_space<hbm>>
    tpu.enqueue_dma source(%dma_start3A_297 : memref<8x512xi32, #tpu.memory_space<hbm>>) target(%arg16 : memref<8x512xi32, #tpu.memory_space<vmem>>) target_semaphore(%arg22 : memref<!tpu.dma_semaphore, #tpu.memory_space<semaphore_mem>>)
    %add3A_298 = arith.constant 24 : i32
    %add3A_299 = arith.addi %mul3A_0, %add3A_298 : i32
    %dma_start3A_300 = arith.constant 2 : i32
    %dma_start3A_301 = arith.constant 0 : i32
    %dma_start3A_302 = tpu.memref_slice %arg3[%dma_start3A_300, %add3A_299, %dma_start3A_301] : memref<5x512x512xi32, #tpu.memory_space<hbm>> -> memref<1x8x512xi32, #tpu.memory_space<hbm>>
    %dma_start3A_303 = tpu.memref_squeeze %dma_start3A_302 : memref<1x8x512xi32, #tpu.memory_space<hbm>> -> memref<8x512xi32, #tpu.memory_space<hbm>>
    %dma_start3A_304 = arith.constant 0 : i32
    %dma_start3A_305 = tpu.memref_slice %arg3[%dma_start3A_300, %add3A_299, %dma_start3A_304] : memref<5x512x512xi32, #tpu.memory_space<hbm>> -> memref<1x8x512xi32, #tpu.memory_space<hbm>>
    %dma_start3A_306 = tpu.memref_squeeze %dma_start3A_305 : memref<1x8x512xi32, #tpu.memory_space<hbm>> -> memref<8x512xi32, #tpu.memory_space<hbm>>
    tpu.enqueue_dma source(%dma_start3A_306 : memref<8x512xi32, #tpu.memory_space<hbm>>) target(%arg17 : memref<8x512xi32, #tpu.memory_space<vmem>>) target_semaphore(%arg22 : memref<!tpu.dma_semaphore, #tpu.memory_space<semaphore_mem>>)
    %add3A_307 = arith.constant 24 : i32
    %add3A_308 = arith.addi %mul3A_0, %add3A_307 : i32
    %dma_start3A_309 = arith.constant 3 : i32
    %dma_start3A_310 = arith.constant 0 : i32
    %dma_start3A_311 = tpu.memref_slice %arg3[%dma_start3A_309, %add3A_308, %dma_start3A_310] : memref<5x512x512xi32, #tpu.memory_space<hbm>> -> memref<1x8x512xi32, #tpu.memory_space<hbm>>
    %dma_start3A_312 = tpu.memref_squeeze %dma_start3A_311 : memref<1x8x512xi32, #tpu.memory_space<hbm>> -> memref<8x512xi32, #tpu.memory_space<hbm>>
    %dma_start3A_313 = arith.constant 0 : i32
    %dma_start3A_314 = tpu.memref_slice %arg3[%dma_start3A_309, %add3A_308, %dma_start3A_313] : memref<5x512x512xi32, #tpu.memory_space<hbm>> -> memref<1x8x512xi32, #tpu.memory_space<hbm>>
    %dma_start3A_315 = tpu.memref_squeeze %dma_start3A_314 : memref<1x8x512xi32, #tpu.memory_space<hbm>> -> memref<8x512xi32, #tpu.memory_space<hbm>>
    tpu.enqueue_dma source(%dma_start3A_315 : memref<8x512xi32, #tpu.memory_space<hbm>>) target(%arg18 : memref<8x512xi32, #tpu.memory_space<vmem>>) target_semaphore(%arg22 : memref<!tpu.dma_semaphore, #tpu.memory_space<semaphore_mem>>)
    %add3A_316 = arith.constant 24 : i32
    %add3A_317 = arith.addi %mul3A_0, %add3A_316 : i32
    %dma_start3A_318 = arith.constant 4 : i32
    %dma_start3A_319 = arith.constant 0 : i32
    %dma_start3A_320 = tpu.memref_slice %arg3[%dma_start3A_318, %add3A_317, %dma_start3A_319] : memref<5x512x512xi32, #tpu.memory_space<hbm>> -> memref<1x8x512xi32, #tpu.memory_space<hbm>>
    %dma_start3A_321 = tpu.memref_squeeze %dma_start3A_320 : memref<1x8x512xi32, #tpu.memory_space<hbm>> -> memref<8x512xi32, #tpu.memory_space<hbm>>
    %dma_start3A_322 = arith.constant 0 : i32
    %dma_start3A_323 = tpu.memref_slice %arg3[%dma_start3A_318, %add3A_317, %dma_start3A_322] : memref<5x512x512xi32, #tpu.memory_space<hbm>> -> memref<1x8x512xi32, #tpu.memory_space<hbm>>
    %dma_start3A_324 = tpu.memref_squeeze %dma_start3A_323 : memref<1x8x512xi32, #tpu.memory_space<hbm>> -> memref<8x512xi32, #tpu.memory_space<hbm>>
    tpu.enqueue_dma source(%dma_start3A_324 : memref<8x512xi32, #tpu.memory_space<hbm>>) target(%arg19 : memref<8x512xi32, #tpu.memory_space<vmem>>) target_semaphore(%arg22 : memref<!tpu.dma_semaphore, #tpu.memory_space<semaphore_mem>>)
    %add3A_325 = arith.constant 8 : i32
    %add3A_326 = arith.addi %mul3A_0, %add3A_325 : i32
    %dma_start3A_327 = arith.constant 0 : i32
    %dma_start3A_328 = tpu.memref_slice %arg4[%add3A_326, %dma_start3A_327] : memref<512x512xf32, #tpu.memory_space<hbm>> -> memref<8x512xf32, #tpu.memory_space<hbm>>
    %dma_start3A_329 = arith.constant 0 : i32
    %dma_start3A_330 = tpu.memref_slice %arg4[%add3A_326, %dma_start3A_329] : memref<512x512xf32, #tpu.memory_space<hbm>> -> memref<8x512xf32, #tpu.memory_space<hbm>>
    tpu.enqueue_dma source(%arg20 : memref<8x512xf32, #tpu.memory_space<vmem>>) target(%dma_start3A_330 : memref<8x512xf32, #tpu.memory_space<hbm>>) target_semaphore(%arg23 : memref<!tpu.dma_semaphore, #tpu.memory_space<semaphore_mem>>)
    %dma_wait3A_331 = arith.constant 0 : i32
    %dma_wait3A_332 = arith.constant 0 : i32
    %dma_wait3A_333 = tpu.memref_slice %arg3[%dma_wait3A_331, %add3A_187, %dma_wait3A_332] : memref<5x512x512xi32, #tpu.memory_space<hbm>> -> memref<1x8x512xi32, #tpu.memory_space<hbm>>
    %dma_wait3A_334 = tpu.memref_squeeze %dma_wait3A_333 : memref<1x8x512xi32, #tpu.memory_space<hbm>> -> memref<8x512xi32, #tpu.memory_space<hbm>>
    %dma_wait3A_335 = arith.constant 0 : i32
    %dma_wait3A_336 = tpu.memref_slice %arg3[%dma_wait3A_331, %add3A_187, %dma_wait3A_335] : memref<5x512x512xi32, #tpu.memory_space<hbm>> -> memref<1x8x512xi32, #tpu.memory_space<hbm>>
    %dma_wait3A_337 = tpu.memref_squeeze %dma_wait3A_336 : memref<1x8x512xi32, #tpu.memory_space<hbm>> -> memref<8x512xi32, #tpu.memory_space<hbm>>
    tpu.wait_dma2 semaphore(%arg22 : memref<!tpu.dma_semaphore, #tpu.memory_space<semaphore_mem>>) src(%dma_wait3A_337 : memref<8x512xi32, #tpu.memory_space<hbm>>) dst(%arg10 : memref<8x512xi32, #tpu.memory_space<vmem>>)
    %dma_wait3A_338 = arith.constant 1 : i32
    %dma_wait3A_339 = arith.constant 0 : i32
    %dma_wait3A_340 = tpu.memref_slice %arg3[%dma_wait3A_338, %add3A_196, %dma_wait3A_339] : memref<5x512x512xi32, #tpu.memory_space<hbm>> -> memref<1x8x512xi32, #tpu.memory_space<hbm>>
    %dma_wait3A_341 = tpu.memref_squeeze %dma_wait3A_340 : memref<1x8x512xi32, #tpu.memory_space<hbm>> -> memref<8x512xi32, #tpu.memory_space<hbm>>
    %dma_wait3A_342 = arith.constant 0 : i32
    %dma_wait3A_343 = tpu.memref_slice %arg3[%dma_wait3A_338, %add3A_196, %dma_wait3A_342] : memref<5x512x512xi32, #tpu.memory_space<hbm>> -> memref<1x8x512xi32, #tpu.memory_space<hbm>>
    %dma_wait3A_344 = tpu.memref_squeeze %dma_wait3A_343 : memref<1x8x512xi32, #tpu.memory_space<hbm>> -> memref<8x512xi32, #tpu.memory_space<hbm>>
    tpu.wait_dma2 semaphore(%arg22 : memref<!tpu.dma_semaphore, #tpu.memory_space<semaphore_mem>>) src(%dma_wait3A_344 : memref<8x512xi32, #tpu.memory_space<hbm>>) dst(%arg11 : memref<8x512xi32, #tpu.memory_space<vmem>>)
    %dma_wait3A_345 = arith.constant 2 : i32
    %dma_wait3A_346 = arith.constant 0 : i32
    %dma_wait3A_347 = tpu.memref_slice %arg3[%dma_wait3A_345, %add3A_205, %dma_wait3A_346] : memref<5x512x512xi32, #tpu.memory_space<hbm>> -> memref<1x8x512xi32, #tpu.memory_space<hbm>>
    %dma_wait3A_348 = tpu.memref_squeeze %dma_wait3A_347 : memref<1x8x512xi32, #tpu.memory_space<hbm>> -> memref<8x512xi32, #tpu.memory_space<hbm>>
    %dma_wait3A_349 = arith.constant 0 : i32
    %dma_wait3A_350 = tpu.memref_slice %arg3[%dma_wait3A_345, %add3A_205, %dma_wait3A_349] : memref<5x512x512xi32, #tpu.memory_space<hbm>> -> memref<1x8x512xi32, #tpu.memory_space<hbm>>
    %dma_wait3A_351 = tpu.memref_squeeze %dma_wait3A_350 : memref<1x8x512xi32, #tpu.memory_space<hbm>> -> memref<8x512xi32, #tpu.memory_space<hbm>>
    tpu.wait_dma2 semaphore(%arg22 : memref<!tpu.dma_semaphore, #tpu.memory_space<semaphore_mem>>) src(%dma_wait3A_351 : memref<8x512xi32, #tpu.memory_space<hbm>>) dst(%arg12 : memref<8x512xi32, #tpu.memory_space<vmem>>)
    %dma_wait3A_352 = arith.constant 3 : i32
    %dma_wait3A_353 = arith.constant 0 : i32
    %dma_wait3A_354 = tpu.memref_slice %arg3[%dma_wait3A_352, %add3A_214, %dma_wait3A_353] : memref<5x512x512xi32, #tpu.memory_space<hbm>> -> memref<1x8x512xi32, #tpu.memory_space<hbm>>
    %dma_wait3A_355 = tpu.memref_squeeze %dma_wait3A_354 : memref<1x8x512xi32, #tpu.memory_space<hbm>> -> memref<8x512xi32, #tpu.memory_space<hbm>>
    %dma_wait3A_356 = arith.constant 0 : i32
    %dma_wait3A_357 = tpu.memref_slice %arg3[%dma_wait3A_352, %add3A_214, %dma_wait3A_356] : memref<5x512x512xi32, #tpu.memory_space<hbm>> -> memref<1x8x512xi32, #tpu.memory_space<hbm>>
    %dma_wait3A_358 = tpu.memref_squeeze %dma_wait3A_357 : memref<1x8x512xi32, #tpu.memory_space<hbm>> -> memref<8x512xi32, #tpu.memory_space<hbm>>
    tpu.wait_dma2 semaphore(%arg22 : memref<!tpu.dma_semaphore, #tpu.memory_space<semaphore_mem>>) src(%dma_wait3A_358 : memref<8x512xi32, #tpu.memory_space<hbm>>) dst(%arg13 : memref<8x512xi32, #tpu.memory_space<vmem>>)
    %dma_wait3A_359 = arith.constant 4 : i32
    %dma_wait3A_360 = arith.constant 0 : i32
    %dma_wait3A_361 = tpu.memref_slice %arg3[%dma_wait3A_359, %add3A_223, %dma_wait3A_360] : memref<5x512x512xi32, #tpu.memory_space<hbm>> -> memref<1x8x512xi32, #tpu.memory_space<hbm>>
    %dma_wait3A_362 = tpu.memref_squeeze %dma_wait3A_361 : memref<1x8x512xi32, #tpu.memory_space<hbm>> -> memref<8x512xi32, #tpu.memory_space<hbm>>
    %dma_wait3A_363 = arith.constant 0 : i32
    %dma_wait3A_364 = tpu.memref_slice %arg3[%dma_wait3A_359, %add3A_223, %dma_wait3A_363] : memref<5x512x512xi32, #tpu.memory_space<hbm>> -> memref<1x8x512xi32, #tpu.memory_space<hbm>>
    %dma_wait3A_365 = tpu.memref_squeeze %dma_wait3A_364 : memref<1x8x512xi32, #tpu.memory_space<hbm>> -> memref<8x512xi32, #tpu.memory_space<hbm>>
    tpu.wait_dma2 semaphore(%arg22 : memref<!tpu.dma_semaphore, #tpu.memory_space<semaphore_mem>>) src(%dma_wait3A_365 : memref<8x512xi32, #tpu.memory_space<hbm>>) dst(%arg14 : memref<8x512xi32, #tpu.memory_space<vmem>>)
    %dma_wait3A_366 = arith.constant 0 : i32
    %dma_wait3A_367 = tpu.memref_slice %arg4[%add3A_326, %dma_wait3A_366] : memref<512x512xf32, #tpu.memory_space<hbm>> -> memref<8x512xf32, #tpu.memory_space<hbm>>
    %dma_wait3A_368 = arith.constant 0 : i32
    %dma_wait3A_369 = tpu.memref_slice %arg4[%add3A_326, %dma_wait3A_368] : memref<512x512xf32, #tpu.memory_space<hbm>> -> memref<8x512xf32, #tpu.memory_space<hbm>>
    tpu.wait_dma2 semaphore(%arg23 : memref<!tpu.dma_semaphore, #tpu.memory_space<semaphore_mem>>) src(%arg20 : memref<8x512xf32, #tpu.memory_space<vmem>>) dst(%dma_wait3A_369 : memref<8x512xf32, #tpu.memory_space<hbm>>)
    %parallel_loop3A_370 = arith.constant 0 : i32
    %parallel_loop3A_371 = arith.constant 256 : i32
    %parallel_loop3A_372 = arith.constant 1 : i32
    %parallel_loop3A_373 = arith.constant 2.000000e-01 : f32
    scf.for %parallel_loop3A_433 = %parallel_loop3A_370 to %parallel_loop3A_371 step %parallel_loop3A_372  : i32 {
      %parallel_loop3A_434 = arith.constant 32 : i32
      %parallel_loop3A_435 = arith.divsi %parallel_loop3A_433, %parallel_loop3A_434 : i32
      %parallel_loop3A_436 = arith.constant 0 : i32
      %parallel_loop3A_437 = arith.cmpi sgt, %parallel_loop3A_433, %parallel_loop3A_436 : i32
      %parallel_loop3A_438 = arith.extui %parallel_loop3A_437 : i1 to i32
      %parallel_loop3A_439 = arith.constant 0 : i32
      %parallel_loop3A_440 = arith.cmpi slt, %parallel_loop3A_433, %parallel_loop3A_439 : i32
      %parallel_loop3A_441 = arith.extui %parallel_loop3A_440 : i1 to i32
      %parallel_loop3A_442 = arith.subi %parallel_loop3A_438, %parallel_loop3A_441 : i32
      %parallel_loop3A_443 = arith.constant 0 : i32
      %parallel_loop3A_444 = arith.cmpi sgt, %parallel_loop3A_434, %parallel_loop3A_443 : i32
      %parallel_loop3A_445 = arith.extui %parallel_loop3A_444 : i1 to i32
      %parallel_loop3A_446 = arith.constant 0 : i32
      %parallel_loop3A_447 = arith.cmpi slt, %parallel_loop3A_434, %parallel_loop3A_446 : i32
      %parallel_loop3A_448 = arith.extui %parallel_loop3A_447 : i1 to i32
      %parallel_loop3A_449 = arith.subi %parallel_loop3A_445, %parallel_loop3A_448 : i32
      %parallel_loop3A_450 = arith.cmpi ne, %parallel_loop3A_442, %parallel_loop3A_449 : i32
      %parallel_loop3A_451 = arith.remsi %parallel_loop3A_433, %parallel_loop3A_434 : i32
      %parallel_loop3A_452 = arith.constant 0 : i32
      %parallel_loop3A_453 = arith.cmpi ne, %parallel_loop3A_451, %parallel_loop3A_452 : i32
      %parallel_loop3A_454 = arith.andi %parallel_loop3A_450, %parallel_loop3A_453 : i1
      %parallel_loop3A_455 = arith.constant 1 : i32
      %parallel_loop3A_456 = arith.subi %parallel_loop3A_435, %parallel_loop3A_455 : i32
      %parallel_loop3A_457 = arith.select %parallel_loop3A_454, %parallel_loop3A_456, %parallel_loop3A_435 : i32
      %parallel_loop3A_458 = arith.constant 32 : i32
      %parallel_loop3A_459 = arith.constant 0 : i32
      %parallel_loop3A_460 = arith.cmpi eq, %parallel_loop3A_458, %parallel_loop3A_459 : i32
      %parallel_loop3A_461 = arith.constant 1 : i32
      %parallel_loop3A_462 = arith.select %parallel_loop3A_460, %parallel_loop3A_461, %parallel_loop3A_458 : i32
      %parallel_loop3A_463 = arith.remsi %parallel_loop3A_433, %parallel_loop3A_462 : i32
      %parallel_loop3A_464 = arith.constant 0 : i32
      %parallel_loop3A_465 = arith.cmpi ne, %parallel_loop3A_463, %parallel_loop3A_464 : i32
      %parallel_loop3A_466 = arith.constant 0 : i32
      %parallel_loop3A_467 = arith.cmpi slt, %parallel_loop3A_463, %parallel_loop3A_466 : i32
      %parallel_loop3A_468 = arith.constant 0 : i32
      %parallel_loop3A_469 = arith.cmpi slt, %parallel_loop3A_462, %parallel_loop3A_468 : i32
      %parallel_loop3A_470 = arith.xori %parallel_loop3A_467, %parallel_loop3A_469 : i1
      %parallel_loop3A_471 = arith.andi %parallel_loop3A_470, %parallel_loop3A_465 : i1
      %parallel_loop3A_472 = arith.addi %parallel_loop3A_463, %parallel_loop3A_462 : i32
      %parallel_loop3A_473 = arith.select %parallel_loop3A_471, %parallel_loop3A_472, %parallel_loop3A_463 : i32
      %parallel_loop3A_474 = arith.constant 16 : i32
      %parallel_loop3A_475 = arith.muli %parallel_loop3A_473, %parallel_loop3A_474 : i32
      %parallel_loop3A_476 = arith.constant 0.000000e+00 : f32
      %parallel_loop3A_477 = vector.broadcast %parallel_loop3A_476 : f32 to vector<16xf32>
      %parallel_loop3A_478 = arith.constant 0 : i32
      %parallel_loop3A_479 = vector.broadcast %parallel_loop3A_478 : i32 to vector<16xi32>
      %parallel_loop3A_480 = arith.index_cast %parallel_loop3A_457 : i32 to index
      %parallel_loop3A_481 = arith.index_cast %parallel_loop3A_475 : i32 to index
      %parallel_loop3A_482 = tpu.vector_load %arg10[%parallel_loop3A_480, %parallel_loop3A_481] {strides = array<i32>} : memref<8x512xi32, #tpu.memory_space<vmem>>, vector<16xi32>,
      %parallel_loop3A_483 = tpu.vector_load_idx %arg5[%parallel_loop3A_479, %parallel_loop3A_482] : memref<1x16384xf32, #tpu.memory_space<vmem>>[vector<16xi32>, vector<16xi32>], vector<16xf32>,
      %parallel_loop3A_484 = arith.addf %parallel_loop3A_477, %parallel_loop3A_483 : vector<16xf32>
      %parallel_loop3A_485 = arith.index_cast %parallel_loop3A_457 : i32 to index
      %parallel_loop3A_486 = arith.index_cast %parallel_loop3A_475 : i32 to index
      %parallel_loop3A_487 = tpu.vector_load %arg11[%parallel_loop3A_485, %parallel_loop3A_486] {strides = array<i32>} : memref<8x512xi32, #tpu.memory_space<vmem>>, vector<16xi32>,
      %parallel_loop3A_488 = tpu.vector_load_idx %arg6[%parallel_loop3A_479, %parallel_loop3A_487] : memref<1x16384xf32, #tpu.memory_space<vmem>>[vector<16xi32>, vector<16xi32>], vector<16xf32>,
      %parallel_loop3A_489 = arith.addf %parallel_loop3A_484, %parallel_loop3A_488 : vector<16xf32>
      %parallel_loop3A_490 = arith.index_cast %parallel_loop3A_457 : i32 to index
      %parallel_loop3A_491 = arith.index_cast %parallel_loop3A_475 : i32 to index
      %parallel_loop3A_492 = tpu.vector_load %arg12[%parallel_loop3A_490, %parallel_loop3A_491] {strides = array<i32>} : memref<8x512xi32, #tpu.memory_space<vmem>>, vector<16xi32>,
      %parallel_loop3A_493 = tpu.vector_load_idx %arg7[%parallel_loop3A_479, %parallel_loop3A_492] : memref<1x16384xf32, #tpu.memory_space<vmem>>[vector<16xi32>, vector<16xi32>], vector<16xf32>,
      %parallel_loop3A_494 = arith.addf %parallel_loop3A_489, %parallel_loop3A_493 : vector<16xf32>
      %parallel_loop3A_495 = arith.index_cast %parallel_loop3A_457 : i32 to index
      %parallel_loop3A_496 = arith.index_cast %parallel_loop3A_475 : i32 to index
      %parallel_loop3A_497 = tpu.vector_load %arg13[%parallel_loop3A_495, %parallel_loop3A_496] {strides = array<i32>} : memref<8x512xi32, #tpu.memory_space<vmem>>, vector<16xi32>,
      %parallel_loop3A_498 = tpu.vector_load_idx %arg8[%parallel_loop3A_479, %parallel_loop3A_497] : memref<1x16384xf32, #tpu.memory_space<vmem>>[vector<16xi32>, vector<16xi32>], vector<16xf32>,
      %parallel_loop3A_499 = arith.addf %parallel_loop3A_494, %parallel_loop3A_498 : vector<16xf32>
      %parallel_loop3A_500 = arith.index_cast %parallel_loop3A_457 : i32 to index
      %parallel_loop3A_501 = arith.index_cast %parallel_loop3A_475 : i32 to index
      %parallel_loop3A_502 = tpu.vector_load %arg14[%parallel_loop3A_500, %parallel_loop3A_501] {strides = array<i32>} : memref<8x512xi32, #tpu.memory_space<vmem>>, vector<16xi32>,
      %parallel_loop3A_503 = tpu.vector_load_idx %arg9[%parallel_loop3A_479, %parallel_loop3A_502] : memref<1x16384xf32, #tpu.memory_space<vmem>>[vector<16xi32>, vector<16xi32>], vector<16xf32>,
      %parallel_loop3A_504 = arith.addf %parallel_loop3A_499, %parallel_loop3A_503 : vector<16xf32>
      %parallel_loop3A_505 = vector.broadcast %parallel_loop3A_373 : f32 to vector<16xf32>
      %parallel_loop3A_506 = arith.mulf %parallel_loop3A_504, %parallel_loop3A_505 : vector<16xf32>
      %parallel_loop3A_507 = arith.index_cast %parallel_loop3A_457 : i32 to index
      %parallel_loop3A_508 = arith.index_cast %parallel_loop3A_475 : i32 to index
      %parallel_loop3A_509 = tpu.vector_load %arg20[%parallel_loop3A_507, %parallel_loop3A_508] {strides = array<i32>} : memref<8x512xf32, #tpu.memory_space<vmem>>, vector<16xf32>,
      tpu.vector_store %arg20[%parallel_loop3A_507, %parallel_loop3A_508], %parallel_loop3A_506 {strides = array<i32>} : memref<8x512xf32, #tpu.memory_space<vmem>>, vector<16xf32>,
    } {sc.loop_unroll_factor = 2 : i64, sc.parallel_access}
    %add3A_374 = arith.constant 16 : i32
    %add3A_375 = arith.addi %mul3A_0, %add3A_374 : i32
    %dma_start3A_376 = arith.constant 0 : i32
    %dma_start3A_377 = tpu.memref_slice %arg4[%add3A_375, %dma_start3A_376] : memref<512x512xf32, #tpu.memory_space<hbm>> -> memref<8x512xf32, #tpu.memory_space<hbm>>
    %dma_start3A_378 = arith.constant 0 : i32
    %dma_start3A_379 = tpu.memref_slice %arg4[%add3A_375, %dma_start3A_378] : memref<512x512xf32, #tpu.memory_space<hbm>> -> memref<8x512xf32, #tpu.memory_space<hbm>>
    tpu.enqueue_dma source(%arg20 : memref<8x512xf32, #tpu.memory_space<vmem>>) target(%dma_start3A_379 : memref<8x512xf32, #tpu.memory_space<hbm>>) target_semaphore(%arg23 : memref<!tpu.dma_semaphore, #tpu.memory_space<semaphore_mem>>)
    %dma_wait3A_380 = arith.constant 0 : i32
    %dma_wait3A_381 = arith.constant 0 : i32
    %dma_wait3A_382 = tpu.memref_slice %arg3[%dma_wait3A_380, %add3A_281, %dma_wait3A_381] : memref<5x512x512xi32, #tpu.memory_space<hbm>> -> memref<1x8x512xi32, #tpu.memory_space<hbm>>
    %dma_wait3A_383 = tpu.memref_squeeze %dma_wait3A_382 : memref<1x8x512xi32, #tpu.memory_space<hbm>> -> memref<8x512xi32, #tpu.memory_space<hbm>>
    %dma_wait3A_384 = arith.constant 0 : i32
    %dma_wait3A_385 = tpu.memref_slice %arg3[%dma_wait3A_380, %add3A_281, %dma_wait3A_384] : memref<5x512x512xi32, #tpu.memory_space<hbm>> -> memref<1x8x512xi32, #tpu.memory_space<hbm>>
    %dma_wait3A_386 = tpu.memref_squeeze %dma_wait3A_385 : memref<1x8x512xi32, #tpu.memory_space<hbm>> -> memref<8x512xi32, #tpu.memory_space<hbm>>
    tpu.wait_dma2 semaphore(%arg22 : memref<!tpu.dma_semaphore, #tpu.memory_space<semaphore_mem>>) src(%dma_wait3A_386 : memref<8x512xi32, #tpu.memory_space<hbm>>) dst(%arg15 : memref<8x512xi32, #tpu.memory_space<vmem>>)
    %dma_wait3A_387 = arith.constant 1 : i32
    %dma_wait3A_388 = arith.constant 0 : i32
    %dma_wait3A_389 = tpu.memref_slice %arg3[%dma_wait3A_387, %add3A_290, %dma_wait3A_388] : memref<5x512x512xi32, #tpu.memory_space<hbm>> -> memref<1x8x512xi32, #tpu.memory_space<hbm>>
    %dma_wait3A_390 = tpu.memref_squeeze %dma_wait3A_389 : memref<1x8x512xi32, #tpu.memory_space<hbm>> -> memref<8x512xi32, #tpu.memory_space<hbm>>
    %dma_wait3A_391 = arith.constant 0 : i32
    %dma_wait3A_392 = tpu.memref_slice %arg3[%dma_wait3A_387, %add3A_290, %dma_wait3A_391] : memref<5x512x512xi32, #tpu.memory_space<hbm>> -> memref<1x8x512xi32, #tpu.memory_space<hbm>>
    %dma_wait3A_393 = tpu.memref_squeeze %dma_wait3A_392 : memref<1x8x512xi32, #tpu.memory_space<hbm>> -> memref<8x512xi32, #tpu.memory_space<hbm>>
    tpu.wait_dma2 semaphore(%arg22 : memref<!tpu.dma_semaphore, #tpu.memory_space<semaphore_mem>>) src(%dma_wait3A_393 : memref<8x512xi32, #tpu.memory_space<hbm>>) dst(%arg16 : memref<8x512xi32, #tpu.memory_space<vmem>>)
    %dma_wait3A_394 = arith.constant 2 : i32
    %dma_wait3A_395 = arith.constant 0 : i32
    %dma_wait3A_396 = tpu.memref_slice %arg3[%dma_wait3A_394, %add3A_299, %dma_wait3A_395] : memref<5x512x512xi32, #tpu.memory_space<hbm>> -> memref<1x8x512xi32, #tpu.memory_space<hbm>>
    %dma_wait3A_397 = tpu.memref_squeeze %dma_wait3A_396 : memref<1x8x512xi32, #tpu.memory_space<hbm>> -> memref<8x512xi32, #tpu.memory_space<hbm>>
    %dma_wait3A_398 = arith.constant 0 : i32
    %dma_wait3A_399 = tpu.memref_slice %arg3[%dma_wait3A_394, %add3A_299, %dma_wait3A_398] : memref<5x512x512xi32, #tpu.memory_space<hbm>> -> memref<1x8x512xi32, #tpu.memory_space<hbm>>
    %dma_wait3A_400 = tpu.memref_squeeze %dma_wait3A_399 : memref<1x8x512xi32, #tpu.memory_space<hbm>> -> memref<8x512xi32, #tpu.memory_space<hbm>>
    tpu.wait_dma2 semaphore(%arg22 : memref<!tpu.dma_semaphore, #tpu.memory_space<semaphore_mem>>) src(%dma_wait3A_400 : memref<8x512xi32, #tpu.memory_space<hbm>>) dst(%arg17 : memref<8x512xi32, #tpu.memory_space<vmem>>)
    %dma_wait3A_401 = arith.constant 3 : i32
    %dma_wait3A_402 = arith.constant 0 : i32
    %dma_wait3A_403 = tpu.memref_slice %arg3[%dma_wait3A_401, %add3A_308, %dma_wait3A_402] : memref<5x512x512xi32, #tpu.memory_space<hbm>> -> memref<1x8x512xi32, #tpu.memory_space<hbm>>
    %dma_wait3A_404 = tpu.memref_squeeze %dma_wait3A_403 : memref<1x8x512xi32, #tpu.memory_space<hbm>> -> memref<8x512xi32, #tpu.memory_space<hbm>>
    %dma_wait3A_405 = arith.constant 0 : i32
    %dma_wait3A_406 = tpu.memref_slice %arg3[%dma_wait3A_401, %add3A_308, %dma_wait3A_405] : memref<5x512x512xi32, #tpu.memory_space<hbm>> -> memref<1x8x512xi32, #tpu.memory_space<hbm>>
    %dma_wait3A_407 = tpu.memref_squeeze %dma_wait3A_406 : memref<1x8x512xi32, #tpu.memory_space<hbm>> -> memref<8x512xi32, #tpu.memory_space<hbm>>
    tpu.wait_dma2 semaphore(%arg22 : memref<!tpu.dma_semaphore, #tpu.memory_space<semaphore_mem>>) src(%dma_wait3A_407 : memref<8x512xi32, #tpu.memory_space<hbm>>) dst(%arg18 : memref<8x512xi32, #tpu.memory_space<vmem>>)
    %dma_wait3A_408 = arith.constant 4 : i32
    %dma_wait3A_409 = arith.constant 0 : i32
    %dma_wait3A_410 = tpu.memref_slice %arg3[%dma_wait3A_408, %add3A_317, %dma_wait3A_409] : memref<5x512x512xi32, #tpu.memory_space<hbm>> -> memref<1x8x512xi32, #tpu.memory_space<hbm>>
    %dma_wait3A_411 = tpu.memref_squeeze %dma_wait3A_410 : memref<1x8x512xi32, #tpu.memory_space<hbm>> -> memref<8x512xi32, #tpu.memory_space<hbm>>
    %dma_wait3A_412 = arith.constant 0 : i32
    %dma_wait3A_413 = tpu.memref_slice %arg3[%dma_wait3A_408, %add3A_317, %dma_wait3A_412] : memref<5x512x512xi32, #tpu.memory_space<hbm>> -> memref<1x8x512xi32, #tpu.memory_space<hbm>>
    %dma_wait3A_414 = tpu.memref_squeeze %dma_wait3A_413 : memref<1x8x512xi32, #tpu.memory_space<hbm>> -> memref<8x512xi32, #tpu.memory_space<hbm>>
    tpu.wait_dma2 semaphore(%arg22 : memref<!tpu.dma_semaphore, #tpu.memory_space<semaphore_mem>>) src(%dma_wait3A_414 : memref<8x512xi32, #tpu.memory_space<hbm>>) dst(%arg19 : memref<8x512xi32, #tpu.memory_space<vmem>>)
    %dma_wait3A_415 = arith.constant 0 : i32
    %dma_wait3A_416 = tpu.memref_slice %arg4[%add3A_375, %dma_wait3A_415] : memref<512x512xf32, #tpu.memory_space<hbm>> -> memref<8x512xf32, #tpu.memory_space<hbm>>
    %dma_wait3A_417 = arith.constant 0 : i32
    %dma_wait3A_418 = tpu.memref_slice %arg4[%add3A_375, %dma_wait3A_417] : memref<512x512xf32, #tpu.memory_space<hbm>> -> memref<8x512xf32, #tpu.memory_space<hbm>>
    tpu.wait_dma2 semaphore(%arg23 : memref<!tpu.dma_semaphore, #tpu.memory_space<semaphore_mem>>) src(%arg20 : memref<8x512xf32, #tpu.memory_space<vmem>>) dst(%dma_wait3A_418 : memref<8x512xf32, #tpu.memory_space<hbm>>)
    %parallel_loop3A_419 = arith.constant 0 : i32
    %parallel_loop3A_420 = arith.constant 256 : i32
    %parallel_loop3A_421 = arith.constant 1 : i32
    %parallel_loop3A_422 = arith.constant 2.000000e-01 : f32
    scf.for %parallel_loop3A_433 = %parallel_loop3A_419 to %parallel_loop3A_420 step %parallel_loop3A_421  : i32 {
      %parallel_loop3A_434 = arith.constant 32 : i32
      %parallel_loop3A_435 = arith.divsi %parallel_loop3A_433, %parallel_loop3A_434 : i32
      %parallel_loop3A_436 = arith.constant 0 : i32
      %parallel_loop3A_437 = arith.cmpi sgt, %parallel_loop3A_433, %parallel_loop3A_436 : i32
      %parallel_loop3A_438 = arith.extui %parallel_loop3A_437 : i1 to i32
      %parallel_loop3A_439 = arith.constant 0 : i32
      %parallel_loop3A_440 = arith.cmpi slt, %parallel_loop3A_433, %parallel_loop3A_439 : i32
      %parallel_loop3A_441 = arith.extui %parallel_loop3A_440 : i1 to i32
      %parallel_loop3A_442 = arith.subi %parallel_loop3A_438, %parallel_loop3A_441 : i32
      %parallel_loop3A_443 = arith.constant 0 : i32
      %parallel_loop3A_444 = arith.cmpi sgt, %parallel_loop3A_434, %parallel_loop3A_443 : i32
      %parallel_loop3A_445 = arith.extui %parallel_loop3A_444 : i1 to i32
      %parallel_loop3A_446 = arith.constant 0 : i32
      %parallel_loop3A_447 = arith.cmpi slt, %parallel_loop3A_434, %parallel_loop3A_446 : i32
      %parallel_loop3A_448 = arith.extui %parallel_loop3A_447 : i1 to i32
      %parallel_loop3A_449 = arith.subi %parallel_loop3A_445, %parallel_loop3A_448 : i32
      %parallel_loop3A_450 = arith.cmpi ne, %parallel_loop3A_442, %parallel_loop3A_449 : i32
      %parallel_loop3A_451 = arith.remsi %parallel_loop3A_433, %parallel_loop3A_434 : i32
      %parallel_loop3A_452 = arith.constant 0 : i32
      %parallel_loop3A_453 = arith.cmpi ne, %parallel_loop3A_451, %parallel_loop3A_452 : i32
      %parallel_loop3A_454 = arith.andi %parallel_loop3A_450, %parallel_loop3A_453 : i1
      %parallel_loop3A_455 = arith.constant 1 : i32
      %parallel_loop3A_456 = arith.subi %parallel_loop3A_435, %parallel_loop3A_455 : i32
      %parallel_loop3A_457 = arith.select %parallel_loop3A_454, %parallel_loop3A_456, %parallel_loop3A_435 : i32
      %parallel_loop3A_458 = arith.constant 32 : i32
      %parallel_loop3A_459 = arith.constant 0 : i32
      %parallel_loop3A_460 = arith.cmpi eq, %parallel_loop3A_458, %parallel_loop3A_459 : i32
      %parallel_loop3A_461 = arith.constant 1 : i32
      %parallel_loop3A_462 = arith.select %parallel_loop3A_460, %parallel_loop3A_461, %parallel_loop3A_458 : i32
      %parallel_loop3A_463 = arith.remsi %parallel_loop3A_433, %parallel_loop3A_462 : i32
      %parallel_loop3A_464 = arith.constant 0 : i32
      %parallel_loop3A_465 = arith.cmpi ne, %parallel_loop3A_463, %parallel_loop3A_464 : i32
      %parallel_loop3A_466 = arith.constant 0 : i32
      %parallel_loop3A_467 = arith.cmpi slt, %parallel_loop3A_463, %parallel_loop3A_466 : i32
      %parallel_loop3A_468 = arith.constant 0 : i32
      %parallel_loop3A_469 = arith.cmpi slt, %parallel_loop3A_462, %parallel_loop3A_468 : i32
      %parallel_loop3A_470 = arith.xori %parallel_loop3A_467, %parallel_loop3A_469 : i1
      %parallel_loop3A_471 = arith.andi %parallel_loop3A_470, %parallel_loop3A_465 : i1
      %parallel_loop3A_472 = arith.addi %parallel_loop3A_463, %parallel_loop3A_462 : i32
      %parallel_loop3A_473 = arith.select %parallel_loop3A_471, %parallel_loop3A_472, %parallel_loop3A_463 : i32
      %parallel_loop3A_474 = arith.constant 16 : i32
      %parallel_loop3A_475 = arith.muli %parallel_loop3A_473, %parallel_loop3A_474 : i32
      %parallel_loop3A_476 = arith.constant 0.000000e+00 : f32
      %parallel_loop3A_477 = vector.broadcast %parallel_loop3A_476 : f32 to vector<16xf32>
      %parallel_loop3A_478 = arith.constant 0 : i32
      %parallel_loop3A_479 = vector.broadcast %parallel_loop3A_478 : i32 to vector<16xi32>
      %parallel_loop3A_480 = arith.index_cast %parallel_loop3A_457 : i32 to index
      %parallel_loop3A_481 = arith.index_cast %parallel_loop3A_475 : i32 to index
      %parallel_loop3A_482 = tpu.vector_load %arg15[%parallel_loop3A_480, %parallel_loop3A_481] {strides = array<i32>} : memref<8x512xi32, #tpu.memory_space<vmem>>, vector<16xi32>,
      %parallel_loop3A_483 = tpu.vector_load_idx %arg5[%parallel_loop3A_479, %parallel_loop3A_482] : memref<1x16384xf32, #tpu.memory_space<vmem>>[vector<16xi32>, vector<16xi32>], vector<16xf32>,
      %parallel_loop3A_484 = arith.addf %parallel_loop3A_477, %parallel_loop3A_483 : vector<16xf32>
      %parallel_loop3A_485 = arith.index_cast %parallel_loop3A_457 : i32 to index
      %parallel_loop3A_486 = arith.index_cast %parallel_loop3A_475 : i32 to index
      %parallel_loop3A_487 = tpu.vector_load %arg16[%parallel_loop3A_485, %parallel_loop3A_486] {strides = array<i32>} : memref<8x512xi32, #tpu.memory_space<vmem>>, vector<16xi32>,
      %parallel_loop3A_488 = tpu.vector_load_idx %arg6[%parallel_loop3A_479, %parallel_loop3A_487] : memref<1x16384xf32, #tpu.memory_space<vmem>>[vector<16xi32>, vector<16xi32>], vector<16xf32>,
      %parallel_loop3A_489 = arith.addf %parallel_loop3A_484, %parallel_loop3A_488 : vector<16xf32>
      %parallel_loop3A_490 = arith.index_cast %parallel_loop3A_457 : i32 to index
      %parallel_loop3A_491 = arith.index_cast %parallel_loop3A_475 : i32 to index
      %parallel_loop3A_492 = tpu.vector_load %arg17[%parallel_loop3A_490, %parallel_loop3A_491] {strides = array<i32>} : memref<8x512xi32, #tpu.memory_space<vmem>>, vector<16xi32>,
      %parallel_loop3A_493 = tpu.vector_load_idx %arg7[%parallel_loop3A_479, %parallel_loop3A_492] : memref<1x16384xf32, #tpu.memory_space<vmem>>[vector<16xi32>, vector<16xi32>], vector<16xf32>,
      %parallel_loop3A_494 = arith.addf %parallel_loop3A_489, %parallel_loop3A_493 : vector<16xf32>
      %parallel_loop3A_495 = arith.index_cast %parallel_loop3A_457 : i32 to index
      %parallel_loop3A_496 = arith.index_cast %parallel_loop3A_475 : i32 to index
      %parallel_loop3A_497 = tpu.vector_load %arg18[%parallel_loop3A_495, %parallel_loop3A_496] {strides = array<i32>} : memref<8x512xi32, #tpu.memory_space<vmem>>, vector<16xi32>,
      %parallel_loop3A_498 = tpu.vector_load_idx %arg8[%parallel_loop3A_479, %parallel_loop3A_497] : memref<1x16384xf32, #tpu.memory_space<vmem>>[vector<16xi32>, vector<16xi32>], vector<16xf32>,
      %parallel_loop3A_499 = arith.addf %parallel_loop3A_494, %parallel_loop3A_498 : vector<16xf32>
      %parallel_loop3A_500 = arith.index_cast %parallel_loop3A_457 : i32 to index
      %parallel_loop3A_501 = arith.index_cast %parallel_loop3A_475 : i32 to index
      %parallel_loop3A_502 = tpu.vector_load %arg19[%parallel_loop3A_500, %parallel_loop3A_501] {strides = array<i32>} : memref<8x512xi32, #tpu.memory_space<vmem>>, vector<16xi32>,
      %parallel_loop3A_503 = tpu.vector_load_idx %arg9[%parallel_loop3A_479, %parallel_loop3A_502] : memref<1x16384xf32, #tpu.memory_space<vmem>>[vector<16xi32>, vector<16xi32>], vector<16xf32>,
      %parallel_loop3A_504 = arith.addf %parallel_loop3A_499, %parallel_loop3A_503 : vector<16xf32>
      %parallel_loop3A_505 = vector.broadcast %parallel_loop3A_422 : f32 to vector<16xf32>
      %parallel_loop3A_506 = arith.mulf %parallel_loop3A_504, %parallel_loop3A_505 : vector<16xf32>
      %parallel_loop3A_507 = arith.index_cast %parallel_loop3A_457 : i32 to index
      %parallel_loop3A_508 = arith.index_cast %parallel_loop3A_475 : i32 to index
      %parallel_loop3A_509 = tpu.vector_load %arg20[%parallel_loop3A_507, %parallel_loop3A_508] {strides = array<i32>} : memref<8x512xf32, #tpu.memory_space<vmem>>, vector<16xf32>,
      tpu.vector_store %arg20[%parallel_loop3A_507, %parallel_loop3A_508], %parallel_loop3A_506 {strides = array<i32>} : memref<8x512xf32, #tpu.memory_space<vmem>>, vector<16xf32>,
    } {sc.loop_unroll_factor = 2 : i64, sc.parallel_access}
    %add3A_423 = arith.constant 24 : i32
    %add3A_424 = arith.addi %mul3A_0, %add3A_423 : i32
    %dma_start3A_425 = arith.constant 0 : i32
    %dma_start3A_426 = tpu.memref_slice %arg4[%add3A_424, %dma_start3A_425] : memref<512x512xf32, #tpu.memory_space<hbm>> -> memref<8x512xf32, #tpu.memory_space<hbm>>
    %dma_start3A_427 = arith.constant 0 : i32
    %dma_start3A_428 = tpu.memref_slice %arg4[%add3A_424, %dma_start3A_427] : memref<512x512xf32, #tpu.memory_space<hbm>> -> memref<8x512xf32, #tpu.memory_space<hbm>>
    tpu.enqueue_dma source(%arg20 : memref<8x512xf32, #tpu.memory_space<vmem>>) target(%dma_start3A_428 : memref<8x512xf32, #tpu.memory_space<hbm>>) target_semaphore(%arg23 : memref<!tpu.dma_semaphore, #tpu.memory_space<semaphore_mem>>)
    %dma_wait3A_429 = arith.constant 0 : i32
    %dma_wait3A_430 = tpu.memref_slice %arg4[%add3A_424, %dma_wait3A_429] : memref<512x512xf32, #tpu.memory_space<hbm>> -> memref<8x512xf32, #tpu.memory_space<hbm>>
    %dma_wait3A_431 = arith.constant 0 : i32
    %dma_wait3A_432 = tpu.memref_slice %arg4[%add3A_424, %dma_wait3A_431] : memref<512x512xf32, #tpu.memory_space<hbm>> -> memref<8x512xf32, #tpu.memory_space<hbm>>
    tpu.wait_dma2 semaphore(%arg23 : memref<!tpu.dma_semaphore, #tpu.memory_space<semaphore_mem>>) src(%arg20 : memref<8x512xf32, #tpu.memory_space<vmem>>) dst(%dma_wait3A_432 : memref<8x512xf32, #tpu.memory_space<hbm>>)
    return
  }
}

module attributes {stable_mosaic.version = 14 : i64} {
  func.func @_w_table_kernel(%arg0: memref<5x16xf32, #tpu.memory_space<vmem>>, %arg1: memref<16x16384xf32, #tpu.memory_space<vmem>>, %arg2: memref<5x16384xf32, #tpu.memory_space<vmem>>) attributes {dimension_semantics = [], scalar_prefetch = 0 : i64, scratch_operands = 0 : i64, tpu.core_type = #tpu.core_type<tc>} {
    %get3A = arith.constant 0 : index
    %get3A_0 = arith.constant 0 : index
    %get3A_1 = vector.load %arg0[%get3A, %get3A_0] : memref<5x16xf32, #tpu.memory_space<vmem>>, vector<5x16xf32>
    %get3A_2 = arith.constant 0 : index
    %get3A_3 = arith.constant 0 : index
    %get3A_4 = vector.load %arg1[%get3A_2, %get3A_3] : memref<16x16384xf32, #tpu.memory_space<vmem>>, vector<16x16384xf32>
    %dot_general3A = arith.constant dense<0.000000e+00> : vector<5x16384xf32>
    %dot_general3A_5 = tpu.matmul %get3A_1, %get3A_4, %dot_general3A {dimension_numbers = #tpu.dot_dimension_numbers<[1], [0], [0], [1], [0, 0, 1, 1], [], []>, transpose_lhs_hint = false} : vector<5x16xf32>, vector<16x16384xf32>, vector<5x16384xf32> -> vector<5x16384xf32>
    %swap3A = arith.constant 0 : index
    %swap3A_6 = arith.constant 0 : index
    %swap3A_7 = vector.load %arg2[%swap3A, %swap3A_6] : memref<5x16384xf32, #tpu.memory_space<vmem>>, vector<5x16384xf32>
    tpu.vector_store %arg2[%swap3A, %swap3A_6], %dot_general3A_5 {strides = array<i32>} : memref<5x16384xf32, #tpu.memory_space<vmem>>, vector<5x16384xf32>,
    return
  }
}

</mosaic_0001>

<sc_bundles>
// kernel: kernel.4.cloned.1.call-start
scs
__scs_entry_jumppad:
0x0: {  	(pc) =	sbr.rel $0x88, $3  }
0x1: {  	(tag) =	ssettag $0x0;
	lr =	simm.s32 $0x1  }
0x2: {  	[smem:$0x3F9E] =	sst lr;
	_ =	strace $0xD0000000  }
0x3: {  	_ = 	snop  }
0x4: {  	_ = 	snop  }
0x5: {  	_ = 	snop  }
0x6: {  	_ = 	snop  }
0x7: {  	_ = 	snop  }
__scs_overlays_trampoline_lowered:
0x8: {  	[smem:$0x3FAD] =	sst s0  }
0x9: {  	[smem:$0x3FAE] =	sst s1  }
0xa: {  	[smem:$0x3FAF] =	sst s2  }
0xb: {  	[smem:$0x3FB0] =	sst s3  }
0xc: {  	[smem:$0x3FB1] =	sst s4  }
0xd: {  	[smem:$0x3FB2] =	sst s5  }
0xe: {  	[smem:$0x3FB3] =	sst s6  }
0xf: {  	[smem:$0x3FB4] =	sst s7  }
0x10: {  	[smem:$0x3FB5] =	sst s8  }
0x11: {  	[smem:$0x3FB6] =	sst s9;
	s0 =	simm.s32 @!p0 $0x0  }
0x12: {  	s1 =	sld [smem:$0x3F9C];
	s0 =	simm.s32 @p0 $0x1  }
0x13: {  	[smem:$0x3FB7] =	sst s0;
	s0 =	simm.s32 @!p1 $0x0  }
0x14: {  	s2 =	sld [smem:$0x3F9B];
	s0 =	simm.s32 @p1 $0x1  }
0x15: {  	[smem:$0x3FB8] =	sst s0;
	s0 =	simm.s32 @!p2 $0x0  }
0x16: {  	s3 =	sld [smem:$0x3FDB];
	s0 =	simm.s32 @p2 $0x1  }
0x17: {  	s4 =	simm.s32 $0x1BF5;
	[smem:$0x3FBA] =	sst s0  }
0x18: {  	s0 =	sld [smem:$0x3F9D];
	_ =	swait.ge [sflag:s4], $0x0  }
0x19: {  	s7 =	sld [smem:$0x3F9E]  }
0x1a: {  	s8 =	sadd.s32 $0xFFFFE003, lr  }
0x1b: {  	s9 =	sadd.s32 $0xFFFFFEF7, lr;
	s5 =	simm.s32 $0xFFFFFFFF;
	p2 =	slt.u32 s8, $0xFFFFF086  }
0x1c: {  	p1 =	slt.u32 s9, $0xF7A;
	s5 =	simm.s32 @!p2 $0x0  }
0x1d: {  	s5 =	simm.s32 @p1 $0x1;
	p0 =	seq.s32 s7, s2  }
0x1e: {  	s7 =	smul.u32 @!p0 $0xF7A, s2;
	p2 =	seq.s32 @!p0 s5, $0x0  }
0x1f: {  	s9 =	smul.u32 $0xF7A, s1;
	s8 =	simm.s32 @!p0 $0x1BF5;
	p2 =	por !p2, p0  }
0x20: {  	[sflag:s8] =	ssyncset.s32 @!p0 $0xFFFFF086;
	s6 =	sadd.s32 @!p0 s3, s7;
	s7 =	simm.s32 @!p0 $0x108  }
0x21: {  	s3 =	sadd.s32 s3, s9;
	s6 =	sadd.s32 @!p0 $0x88, s6;
	s7 =	simm.s32 @p2 $0x1082  }
0x22: {  	[simem:s7], [sflag:s8] =	dma.local @!p0 [hbm:s6], $0xF7A  }
0x23: {  	s9 =	sor.u32 $0xD0000000, s2;
	s6 =	simm.s32 $0x108;
	_ =	swait.ge @!p0 [sflag:s8], $0x0  }
0x24: {  	s3 =	sadd.s32 $0x88, s3;
	s6 =	simm.s32 @!p1 $0x1082;
	[sflag:s4] =	ssyncset.s32 $0xFFFFF086  }
0x25: {  	[simem:s6], [sflag:s4] =	dma.local [hbm:s3], $0xF7A  }
0x26: {  	[smem:$0x3F9E] =	sst s1;
	(tag) =	ssettag s2;
	_ =	strace s9  }
0x27: {  	s1 =	sld [smem:$0x3FAE]  }
0x28: {  	s2 =	sld [smem:$0x3FAF]  }
0x29: {  	s4 =	sld [smem:$0x3FB1]  }
0x2a: {  	p0 =	seq.s32 s5, $0x0;
	s5 =	sld [smem:$0x3FB2]  }
0x2b: {  	s6 =	sld [smem:$0x3FB3]  }
0x2c: {  	s7 =	sld [smem:$0x3FB4]  }
0x2d: {  	s3 =	simm.s32 $0x108;
	s8 =	sld [smem:$0x3FB5]  }
0x2e: {  	s3 =	simm.s32 @!p0 $0x1082;
	s9 =	sld [smem:$0x3FB6]  }
0x2f: {  	lr =	sadd.s32 s0, s3;
	s0 =	sld [smem:$0x3FAD]  }
0x30: {  	s3 =	sld [smem:$0x3FB0]  }
0x31: {  	[smem:$0x3FB9] =	sst s10  }
0x32: {  	s10 =	sld [smem:$0x3FB7];
	_ =	sdelay $0x3  }
0x33: {  	p0 =	seq.s32 s10, $0x1;
	s10 =	sld [smem:$0x3FB9];
	_ =	sdelay $0x3  }
0x34: {  	[smem:$0x3FB9] =	sst s10  }
0x35: {  	s10 =	sld [smem:$0x3FB8];
	_ =	sdelay $0x3  }
0x36: {  	p1 =	seq.s32 s10, $0x1;
	s10 =	sld [smem:$0x3FB9];
	_ =	sdelay $0x3  }
0x37: {  	[smem:$0x3FB9] =	sst s10  }
0x38: {  	s10 =	sld [smem:$0x3FBA]  }
0x39: {  	_ = 	snop;
	(pc) =	sbr.ind lr, $3  }
0x3a: {  	_ = 	snop  }
0x3b: {  	_ = 	snop  }
0x3c: {  	p2 =	seq.s32 s10, $0x1;
	s10 =	sld [smem:$0x3FB9]  }
0x3d: {  	_ =	shalt  }
0x3e: {  	_ =	shalt  }
0x3f: {  	_ =	shalt  }
0x40: {  	_ =	shalt  }
0x41: {  	_ =	shalt  }
0x42: {  	_ =	shalt  }
0x43: {  	_ =	shalt  }
0x44: {  	_ =	shalt  }
0x45: {  	_ =	shalt  }
0x46: {  	_ =	shalt  }
0x47: {  	_ =	shalt  }
0x48: {  	_ =	shalt  }
0x49: {  	_ =	shalt  }
0x4a: {  	_ =	shalt  }
0x4b: {  	_ =	shalt  }
0x4c: {  	_ =	shalt  }
0x4d: {  	_ =	shalt  }
0x4e: {  	_ =	shalt  }
0x4f: {  	_ =	shalt  }
0x50: {  	_ =	shalt  }
0x51: {  	_ =	shalt  }
0x52: {  	_ =	shalt  }
0x53: {  	_ =	shalt  }
0x54: {  	_ =	shalt  }
0x55: {  	_ =	shalt  }
0x56: {  	_ =	shalt  }
0x57: {  	_ =	shalt  }
0x58: {  	_ =	shalt  }
0x59: {  	_ =	shalt  }
0x5a: {  	_ =	shalt  }
0x5b: {  	_ =	shalt  }
0x5c: {  	_ =	shalt  }
0x5d: {  	_ =	shalt  }
0x5e: {  	_ =	shalt  }
0x5f: {  	_ =	shalt  }
0x60: {  	_ =	shalt  }
0x61: {  	_ =	shalt  }
0x62: {  	_ =	shalt  }
0x63: {  	_ =	shalt  }
0x64: {  	_ =	shalt  }
0x65: {  	_ =	shalt  }
0x66: {  	_ =	shalt  }
0x67: {  	_ =	shalt  }
0x68: {  	_ =	shalt  }
0x69: {  	_ =	shalt  }
0x6a: {  	_ =	shalt  }
0x6b: {  	_ =	shalt  }
0x6c: {  	_ =	shalt  }
0x6d: {  	_ =	shalt  }
0x6e: {  	_ =	shalt  }
0x6f: {  	_ =	shalt  }
0x70: {  	_ =	shalt  }
0x71: {  	_ =	shalt  }
0x72: {  	_ =	shalt  }
0x73: {  	_ =	shalt  }
0x74: {  	_ =	shalt  }
0x75: {  	_ =	shalt  }
0x76: {  	_ =	shalt  }
0x77: {  	_ =	shalt  }
0x78: {  	_ =	shalt  }
0x79: {  	_ =	shalt  }
0x7a: {  	_ =	shalt  }
0x7b: {  	_ =	shalt  }
0x7c: {  	_ =	shalt  }
0x7d: {  	_ =	shalt  }
0x7e: {  	_ =	shalt  }
0x7f: {  	_ =	shalt  }
0x80: {  	_ =	shalt  }
0x81: {  	_ =	shalt  }
0x82: {  	_ =	shalt  }
0x83: {  	_ =	shalt  }
0x84: {  	_ =	shalt  }
0x85: {  	_ =	shalt  }
0x86: {  	_ =	shalt  }
0x87: {  	_ =	shalt  }
.Lfunc_end0:
.L_simem_size_0:
called_computation_lowered:
.L_overlay_start_0:
0x88: {  	s0 =	sld [smem:$0x3FD9]  }
0x89: {  	s1 =	sld [smem:$0x3FFE];
	_ =	sdelay $0x3  }
0x8a: {  	s0 =	sadd.s32 s1, s0  }
0x8b: {  	[smem:$0x3FC5] =	sst s0  }
0x8c: {  	_ = 	snop  }
0x8d: {  	s0 =	sld [smem:$0x3FC8]  }
0x8e: {  	s16 =	sld [smem:$0x3FD0];
	(tm) =	ssettm $0x1  }
0x8f: {  	s2 =	sld [smem:$0x3FFB];
	_ =	sdelay $0x3  }
0x90: {  	_ =	strace s2  }
0x91: {  	s2 =	sld [smem:$0x3FFC];
	_ =	sdelay $0x3  }
0x92: {  	_ =	strace s2  }
0x93: {  	s2 =	sld [smem:$0x3FFD];
	_ =	sdelay $0x3  }
0x94: {  	_ =	strace s2  }
0x95: {  	_ =	strace $0x8FFFFFFF  }
0x96: {  	s17 =	sld [smem:$0x3FDB];
	_ =	sdelay $0x1  }
0x97: {  	s3 =	simm.s32 $_scs_section_size  }
0x98: {  	s4 =	simm.s32 $_size__tile_overlayer_lowered;
	s5 =	simm.s32 $_tile_overlayer_lowered  }
0x99: {  	s20 =	simm.s32 $0x1BFF;
	s19 =	sshll.u32 s5, $0x1;
	s2 =	sadd.s32 s3, s17  }
0x9a: {  	s6 =	simm.s32 $0x0;
	s18 =	sshll.u32 s4, $0x1;
	s4 =	sadd.s32 s19, s2  }
0x9b: {  	[timem:s6], [sflag:s20] =	dma.local [hbm:s4], s18  }
0x9c: {  	_ =	swait.ge [sflag:s20], s18  }
0x9d: {  	s3 =	ssub.s32 $0x0, s18;
	[sflag:s20] =	ssyncset.done $0x0  }
0x9e: {  	[sflag:s20] =	ssyncadd.s32 s3;
	_ =	sdelay $0x1  }
0x9f: {  	s21 =	simm.s32 $0x1B8B  }
0xa0: {  	_ =	swait.ge [sflag:s21], $0x1  }
0xa1: {  	[sflag:s21] =	ssyncset.done $0x0  }
0xa2: {  	s23 =	simm.s32 $0x1B8E;
	s22 =	sld [smem:$0x3FFE];
	[sflag:s21] =	ssyncadd.s32 $0xFFFFFFFF  }
0xa3: {  	s24 =	simm.s32 $execute0_lowered;
	[smem:$0x3FD2] =	sst s23  }
0xa4: {  	s4 =	sshll.u32 s24, $0x1;
	_ =	strace $0x80000046;
	[dreg:$0x1] =	wrdreg $0xFFFFFFFF  }
0xa5: {  	s25 =	simm.s32 $_size_execute0_lowered;
	s2 =	sadd.s32 s2, s4;
	[dreg:$0x0] =	wrdreg $0x0  }
0xa6: {  	s4 =	sshll.u32 s25, $0x1;
	[dreg:$0x2] =	wrdreg s2  }
0xa7: {  	[dreg:$0x3] =	wrdreg s4  }
0xa8: {  	[dreg:$0x4] =	wrdreg $0xC0  }
0xa9: {  	_ =	task [dreg:s6], $0x5FFFF  }
0xaa: {  	[dreg:$0x1] =	wrdreg $0xFFFFFFFF  }
0xab: {  	[dreg:$0x0] =	wrdreg $0x60  }
0xac: {  	[dreg:$0x2] =	wrdreg s22  }
0xad: {  	[dreg:$0x3] =	wrdreg s0  }
0xae: {  	[dreg:$0x4] =	wrdreg s16  }
0xaf: {  	[dreg:$0x5] =	wrdreg $0x9  }
0xb0: {  	_ =	task.clear_ibuf [dreg:s6], $0x6FFFF;
	_ =	strace $0x90000046  }
0xb1: {  	s26 =	simm.s32 $0x9;
	_ =	strace $0x80000048  }
0xb2: {  	_ =	swait.ge [sflag:s26], $0x1  }
0xb3: {  	[sflag:s26] =	ssyncadd.s32 $0xFFFFFFFF  }
0xb4: {  	_ =	strace $0x90000048  }
0xb5: {  	_ =	sfence  }
0xb6: {  	s28 =	sld [smem:$0x0];
	_ =	sdelay $0x1  }
0xb7: {  	s29 =	srdreg.scid  }
0xb8: {  	s30 =	sshll.u32 s29, $0xD;
	s31 =	sshrl.u32 s29, $0x2  }
0xb9: {  	s1 =	sand.u32 $0x1, s29;
	s2 =	sand.u32 $0x4000, s30;
	s0 =	sadd.s32 s31, s28  }
0xba: {  	s1 =	sor.u32 s2, s1;
	s0 =	sshll.u32 s0, $0x11  }
0xbb: {  	s0 =	sor.u32 s0, s1  }
0xbc: {  	s0 =	sadd.s32 $0x8F2B, s0  }
0xbd: {  	[sflag:s0] =	ssyncadd.remote.s32 $0x1  }
0xbe: {  	_ =	sfence.sel $0xFFFF  }
0xbf: {  	[dreg:$0x0] =	wrdreg $0xFFFFFFFF;
	(pc) =	sbr.abs _section_cstart, $3  }
0xc0: {  	[dreg:$0x1] =	wrdreg $0xFFFFFFFF  }
0xc1: {  	_ =	task.clear_ibuf [dreg:s6], $0x2FFFF;
	_ =	strace $0x9FFFFFFF  }
0xc2: {  	(tm) =	ssettm $0x7FFFFFFF  }
0xc3: {  	_ =	shalt  }
tec
execute0_lowered:
.L_overlay_start_1:
0x0: {  	(tag) =	ssettag $0x1  }
0x1: {  	s4 =	rddreg [dreg:$0x0]  }
0x2: {  	s3 =	rddreg [dreg:$0x1]  }
0x3: {  	s1 =	rddreg [dreg:$0x2]  }
0x4: {  	s0 =	rddreg [dreg:$0x3];
	s6 =	simm.s32 $0x0  }
0x5: {  	s11 =	simm.s32 $0x80;
	[smem:$0x7FF] =	sst s6  }
0x6: {  	s12 =	simm.s32 $0x400;
	s2 =	sadd.s32 $0xA00, s4;
	_ =	strace $0x80000047  }
0x7: {  	[tilespmem:s6], [sflag:$0x1] =	stream.strided.gather [hbm4b:s2+s11], $0x4000, s12, s11, $0x38;
	[tilespmem:$0x1F000] =	vst v63  }
0x8: {  	s7 =	simm.s32 $0x4000;
	s23 =	sadd.s32 $0xA10, s4  }
0x9: {  	[tilespmem:s7], [sflag:$0x1] =	stream.strided.gather [hbm4b:s23+s11], $0x4000, s12, s11, $0x38;
	[tilespmem:$0x1F000] =	vst v63  }
0xa: {  	s8 =	simm.s32 $0x8000;
	s24 =	sadd.s32 $0xA20, s4  }
0xb: {  	[tilespmem:s8], [sflag:$0x1] =	stream.strided.gather [hbm4b:s24+s11], $0x4000, s12, s11, $0x38;
	[tilespmem:$0x1F000] =	vst v63  }
0xc: {  	s9 =	simm.s32 $0xC000;
	s5 =	sadd.s32 $0xA30, s4;
	s2 =	stileid.u32  }
0xd: {  	[tilespmem:s9], [sflag:$0x1] =	stream.strided.gather [hbm4b:s5+s11], $0x4000, s12, s11, $0x38;
	[tilespmem:$0x1F000] =	vst v63  }
0xe: {  	s10 =	simm.s32 $0x10000;
	s4 =	sadd.s32 $0xA40, s4;
	s5 =	sshll.u32 s2, $0xB  }
0xf: {  	[tilespmem:s10], [sflag:$0x1] =	stream.strided.gather [hbm4b:s4+s11], $0x4000, s12, s11, $0x38;
	[tilespmem:$0x1F000] =	vst v63  }
0x10: {  	s26 =	simm.s32 $0x14000;
	s25 =	sadd.s32 s3, s5  }
0x11: {  	[tilespmem:s26], [sflag:$0x2] =	stream.linear.gather [hbm4b:s25+s6], $0x1000, $0x38;
	[tilespmem:$0x1F000] =	vst v63  }
0x12: {  	s29 =	simm.s32 $0x15000;
	s28 =	sadd.s32 $0x8000, s25  }
0x13: {  	[tilespmem:s29], [sflag:$0x2] =	stream.linear.gather [hbm4b:s28+s6], $0x1000, $0x38;
	[tilespmem:$0x1F000] =	vst v63  }
0x14: {  	s31 =	simm.s32 $0x16000;
	s30 =	sadd.s32 $0x10000, s25  }
0x15: {  	[tilespmem:s31], [sflag:$0x2] =	stream.linear.gather [hbm4b:s30+s6], $0x1000, $0x38;
	[tilespmem:$0x1F000] =	vst v63  }
0x16: {  	s13 =	simm.s32 $0x17000;
	s12 =	sadd.s32 $0x18000, s25  }
0x17: {  	[tilespmem:s13], [sflag:$0x2] =	stream.linear.gather [hbm4b:s12+s6], $0x1000, $0x38;
	[tilespmem:$0x1F000] =	vst v63  }
0x18: {  	s14 =	sadd.s32 $0x20000, s25;
	s4 =	sor.u32 $0x200, s5;
	s13 =	simm.s32 $0x18000  }
0x19: {  	[tilespmem:s13], [sflag:$0x2] =	stream.linear.gather [hbm4b:s14+s6], $0x1000, $0x38;
	[tilespmem:$0x1F000] =	vst v63  }
0x1a: {  	s16 =	simm.s32 $0x19000;
	s15 =	sadd.s32 s3, s4  }
0x1b: {  	[tilespmem:s16], [sflag:$0x2] =	stream.linear.gather [hbm4b:s15+s6], $0x1000, $0x38;
	[tilespmem:$0x1F000] =	vst v63  }
0x1c: {  	s18 =	simm.s32 $0x1A000;
	s17 =	sadd.s32 $0x8200, s25  }
0x1d: {  	[tilespmem:s18], [sflag:$0x2] =	stream.linear.gather [hbm4b:s17+s6], $0x1000, $0x38;
	[tilespmem:$0x1F000] =	vst v63  }
0x1e: {  	s20 =	simm.s32 $0x1B000;
	s19 =	sadd.s32 $0x10200, s25  }
0x1f: {  	[tilespmem:s20], [sflag:$0x2] =	stream.linear.gather [hbm4b:s19+s6], $0x1000, $0x38;
	[tilespmem:$0x1F000] =	vst v63  }
0x20: {  	s22 =	simm.s32 $0x1C000;
	s21 =	sadd.s32 $0x18200, s25  }
0x21: {  	[tilespmem:s22], [sflag:$0x2] =	stream.linear.gather [hbm4b:s21+s6], $0x1000, $0x38;
	[tilespmem:$0x1F000] =	vst v63  }
0x22: {  	s23 =	simm.s32 $0x1D000;
	s24 =	simm.s32 $0x1;
	s11 =	sadd.s32 $0x20200, s25  }
0x23: {  	[tilespmem:s23], [sflag:$0x2] =	stream.linear.gather [hbm4b:s11+s6], $0x1000, $0x38;
	[tilespmem:$0x1F000] =	vst v63  }
0x24: {  	_ =	swait.ge [sflag:s24], $0x4000  }
0x25: {  	[sflag:s24] =	ssyncset.done $0x0  }
0x26: {  	[sflag:s24] =	ssyncadd.s32 $0xFFFFC000  }
0x27: {  	_ =	swait.ge [sflag:s24], $0x4000  }
0x28: {  	[sflag:s24] =	ssyncset.done $0x0  }
0x29: {  	[sflag:s24] =	ssyncadd.s32 $0xFFFFC000  }
0x2a: {  	_ =	swait.ge [sflag:s24], $0x4000  }
0x2b: {  	[sflag:s24] =	ssyncset.done $0x0  }
0x2c: {  	[sflag:s24] =	ssyncadd.s32 $0xFFFFC000  }
0x2d: {  	_ =	swait.ge [sflag:s24], $0x4000  }
0x2e: {  	[sflag:s24] =	ssyncset.done $0x0  }
0x2f: {  	[sflag:s24] =	ssyncadd.s32 $0xFFFFC000  }
0x30: {  	_ =	swait.ge [sflag:s24], $0x4000  }
0x31: {  	[sflag:s24] =	ssyncset.done $0x0  }
0x32: {  	s25 =	simm.s32 $0x2;
	[sflag:s24] =	ssyncadd.s32 $0xFFFFC000  }
0x33: {  	_ =	swait.ge [sflag:s25], $0x1000  }
0x34: {  	[sflag:s25] =	ssyncset.done $0x0  }
0x35: {  	[sflag:s25] =	ssyncadd.s32 $0xFFFFF000  }
0x36: {  	_ =	swait.ge [sflag:s25], $0x1000  }
0x37: {  	[sflag:s25] =	ssyncset.done $0x0  }
0x38: {  	[sflag:s25] =	ssyncadd.s32 $0xFFFFF000  }
0x39: {  	_ =	swait.ge [sflag:s25], $0x1000  }
0x3a: {  	[sflag:s25] =	ssyncset.done $0x0  }
0x3b: {  	[sflag:s25] =	ssyncadd.s32 $0xFFFFF000  }
0x3c: {  	_ =	swait.ge [sflag:s25], $0x1000  }
0x3d: {  	[sflag:s25] =	ssyncset.done $0x0  }
0x3e: {  	[sflag:s25] =	ssyncadd.s32 $0xFFFFF000  }
0x3f: {  	s26 =	sand.u32 $0xC00, s6;
	s28 =	sand.u32 $0x380, s6;
	_ =	swait.ge [sflag:s25], $0x1000  }
0x40: {  	s12 =	sor.u32 s28, s26;
	s14 =	sand.u32 $0x60, s6;
	[sflag:s25] =	ssyncset.done $0x0  }
0x41: {  	s11 =	sor.u32 s14, s12;
	[sflag:s25] =	ssyncadd.s32 $0xFFFFF000  }
0x42: {  	v0 =	vld [tilespmem:s11+$0x14010]  }
0x43: {  	v1 =	vld [tilespmem:s11+$0x14000]  }
0x44: {  	v2 =	vld [tilespmem:s11+$0x15010]  }
0x45: {  	v3 =	vld [tilespmem:s11+$0x15000]  }
0x46: {  	v4 =	vld [tilespmem:s11+$0x16010]  }
0x47: {  	s29 =	simm.s32 $0x100;
	s30 =	simm.s32 $0x8;
	v5 =	vld [tilespmem:s11+$0x16000]  }
0x48: {  	s31 =	simm.s32 $0x20;
	s13 =	sand.u32 $0x380, s30;
	s12 =	sand.u32 $0xC00, s29;
	v6 =	vld [tilespmem:s11+$0x17010]  }
0x49: {  	s14 =	sand.u32 $0x60, s31;
	s12 =	sor.u32 s13, s12;
	v7 =	vld [tilespmem:s11+$0x18010]  }
0x4a: {  	s12 =	sor.u32 s14, s12;
	v9 =	vld [tilespmem:s11+$0x17000]  }
0x4b: {  	v11 =	vld [tilespmem:s12+$0x14010]  }
0x4c: {  	v12 =	vld [tilespmem:s12+$0x14000]  }
0x4d: {  	v13 =	vld [tilespmem:s12+$0x15010]  }
0x4e: {  	v14 =	vld [tilespmem:s12+$0x15000]  }
0x4f: {  	v15 =	vld [tilespmem:s12+$0x16010]  }
0x50: {  	v16 =	vld [tilespmem:s12+$0x18010]  }
0x51: {  	v8 =	vld.idx.msk [tilespmem:v0+s6+$0x0], $0xffff  }
0x52: {  	v1 =	vld.idx.msk [tilespmem:v1+s6+$0x0], $0xffff  }
0x53: {  	v10 =	vld.idx.msk [tilespmem:v2+s7+$0x0], $0xffff  }
0x54: {  	v4 =	vld.idx.msk [tilespmem:v4+s8+$0x0], $0xffff  }
0x55: {  	v3 =	vld.idx.msk [tilespmem:v3+s7+$0x0], $0xffff  }
0x56: {  	v6 =	vld.idx.msk [tilespmem:v6+s9+$0x0], $0xffff  }
0x57: {  	v0 =	vld [tilespmem:s11+$0x18000]  }
0x58: {  	v7 =	vld.idx.msk [tilespmem:v7+s10+$0x0], $0xffff  }
0x59: {  	v5 =	vld.idx.msk [tilespmem:v5+s8+$0x0], $0xffff;
	v8 =	vadd.f32 $0.0e+00, v8  }
0x5a: {  	v9 =	vld.idx.msk [tilespmem:v9+s9+$0x0], $0xffff  }
0x5b: {  	v2 =	vld [tilespmem:s12+$0x16000];
	v8 =	vadd.f32 v10, v8  }
0x5c: {  	v10 =	vld [tilespmem:s12+$0x17010]  }
0x5d: {  	v62 =	vld.idx.msk [tilespmem:v13+s7+$0x0], $0xffff;
	v1 =	vadd.f32 $0.0e+00, v1;
	v4 =	vadd.f32 v4, v8  }
0x5e: {  	v8 =	vld.idx.msk [tilespmem:v11+s6+$0x0], $0xffff  }
0x5f: {  	v1 =	vadd.f32 v3, v1;
	v3 =	vld [tilespmem:s12+$0x17000];
	v4 =	vadd.f32 v6, v4  }
0x60: {  	v11 =	vld.idx.msk [tilespmem:v12+s6+$0x0], $0xffff  }
0x61: {  	v6 =	vld.idx.msk [tilespmem:v15+s8+$0x0], $0xffff;
	v7 =	vadd.f32 v7, v4  }
0x62: {  	v1 =	vadd.f32 v5, v1;
	v4 =	vld.idx.msk [tilespmem:v14+s7+$0x0], $0xffff  }
0x63: {  	v63 =	vadd.f32 $0.0e+00, v8;
	v8 =	vld [tilespmem:s12+$0x18000];
	v7 =	vmul.f32 $2.000000030e-01, v7  }
0x64: {  	s15 =	simm.s32 $0x200;
	v1 =	vadd.f32 v9, v1;
	v5 =	vld.idx.msk [tilespmem:v10+s9+$0x0], $0xffff  }
0x65: {  	s16 =	simm.s32 $0x10;
	s13 =	simm.s32 $0x2;
	s14 =	simm.s32 $0x40;
	v9 =	vadd.f32 $0.0e+00, v11;
	v10 =	vadd.f32 v62, v63;
	[tilespmem:s11+$0x1E010] =	vst v7;
	v7 =	vld.idx.msk [tilespmem:v16+s10+$0x0], $0xffff  }
.LBB2_1:
0x66: {  	s17 =	sand.u32 $0xC00, s15;
	s18 =	sand.u32 $0x380, s16;
	s13 =	sadd.s32 $0x2, s13;
	v2 =	vld.idx.msk [tilespmem:v2+s8+$0x0], $0xffff  }
0x67: {  	s19 =	sand.u32 $0x60, s14;
	s17 =	sor.u32 s18, s17;
	p0 =	slt.u32 s13, $0xFE;
	v6 =	vadd.f32 v6, v10;
	v10 =	vld.idx.msk [tilespmem:v0+s10+$0x0], $0xffff  }
0x68: {  	v4 =	vadd.f32 v4, v9;
	s17 =	sor.u32 s19, s17;
	v3 =	vld.idx.msk [tilespmem:v3+s9+$0x0], $0xffff  }
0x69: {  	v9 =	vld [tilespmem:s17+$0x14010];
	v5 =	vadd.f32 v5, v6;
	v0 =	vmov v8  }
0x6a: {  	v6 =	vld [tilespmem:s17+$0x14000]  }
0x6b: {  	v8 =	vld [tilespmem:s17+$0x15010];
	v5 =	vadd.f32 v7, v5  }
0x6c: {  	v4 =	vadd.f32 v2, v4;
	v7 =	vld [tilespmem:s17+$0x15000]  }
0x6d: {  	v10 =	vadd.f32 v10, v1;
	v11 =	vld [tilespmem:s17+$0x16010];
	v5 =	vmul.f32 $2.000000030e-01, v5  }
0x6e: {  	v1 =	vadd.f32 v3, v4;
	v2 =	vld [tilespmem:s17+$0x16000]  }
0x6f: {  	v3 =	vmul.f32 $2.000000030e-01, v10;
	v12 =	vld [tilespmem:s17+$0x17010];
	[tilespmem:s12+$0x1E010] =	vst v5  }
0x70: {  	v13 =	vld [tilespmem:s17+$0x18010]  }
0x71: {  	v5 =	vld.idx.msk [tilespmem:v9+s6+$0x0], $0xffff;
	[tilespmem:s11+$0x1E000] =	vst v3;
	s11 =	smov.u32 s12;
	s12 =	smov.u32 s17  }
0x72: {  	v9 =	vld.idx.msk [tilespmem:v6+s6+$0x0], $0xffff  }
0x73: {  	v10 =	vld.idx.msk [tilespmem:v8+s7+$0x0], $0xffff  }
0x74: {  	v3 =	vld [tilespmem:s12+$0x17000]  }
.Ltmp0:
0x75: {  	v6 =	vld.idx.msk [tilespmem:v11+s8+$0x0], $0xffff;
	(pc) =	sbr.rel @p0 .LBB2_1-.Ltmp0, $4  }
0x76: {  	v4 =	vld.idx.msk [tilespmem:v7+s7+$0x0], $0xffff  }
0x77: {  	v7 =	vadd.f32 $0.0e+00, v5;
	v5 =	vld.idx.msk [tilespmem:v12+s9+$0x0], $0xffff  }
0x78: {  	v9 =	vadd.f32 $0.0e+00, v9;
	v8 =	vld [tilespmem:s12+$0x18000]  }
0x79: {  	s14 =	sadd.s32 $0x20, s14;
	s15 =	sadd.s32 $0x100, s15;
	s16 =	sadd.s32 $0x8, s16;
	v10 =	vadd.f32 v10, v7;
	v7 =	vld.idx.msk [tilespmem:v13+s10+$0x0], $0xffff  }
0x7a: {  	_ =	sdelay $0x3  }
0x7b: {  	v2 =	vld.idx.msk [tilespmem:v2+s8+$0x0], $0xffff;
	_ =	sdelay $0x1  }
0x7c: {  	v3 =	vld.idx.msk [tilespmem:v3+s9+$0x0], $0xffff  }
0x7d: {  	v0 =	vld.idx.msk [tilespmem:v0+s10+$0x0], $0xffff;
	v6 =	vadd.f32 v6, v10;
	v4 =	vadd.f32 v4, v9  }
0x7e: {  	v8 =	vld.idx.msk [tilespmem:v8+s10+$0x0], $0xffff  }
0x7f: {  	v5 =	vadd.f32 v5, v6;
	v2 =	vadd.f32 v2, v4;
	_ =	sdelay $0x1  }
0x80: {  	v4 =	vadd.f32 v7, v5;
	v2 =	vadd.f32 v3, v2  }
0x81: {  	v0 =	vadd.f32 v0, v1  }
0x82: {  	v1 =	vmul.f32 $2.000000030e-01, v4;
	v2 =	vadd.f32 v8, v2  }
0x83: {  	v0 =	vmul.f32 $2.000000030e-01, v0  }
0x84: {  	[tilespmem:s12+$0x1E010] =	vst v1;
	v1 =	vmul.f32 $2.000000030e-01, v2  }
0x85: {  	s6 =	sor.u32 $0x400, s5;
	s7 =	sadd.s32 s5, s3;
	[tilespmem:s11+$0x1E000] =	vst v0  }
0x86: {  	s8 =	simm.s32 $0x0;
	s14 =	simm.s32 $0x14000;
	s13 =	sadd.s32 s3, s6;
	[tilespmem:s12+$0x1E000] =	vst v1  }
0x87: {  	[tilespmem:s14], [sflag:$0x2] =	stream.linear.gather [hbm4b:s13+s8], $0x1000, $0x38;
	[tilespmem:$0x1F000] =	vst v63  }
0x88: {  	s16 =	simm.s32 $0x15000;
	s15 =	sadd.s32 $0x8400, s7  }
0x89: {  	[tilespmem:s16], [sflag:$0x2] =	stream.linear.gather [hbm4b:s15+s8], $0x1000, $0x38;
	[tilespmem:$0x1F000] =	vst v63  }
0x8a: {  	s18 =	simm.s32 $0x16000;
	s17 =	sadd.s32 $0x10400, s7  }
0x8b: {  	[tilespmem:s18], [sflag:$0x2] =	stream.linear.gather [hbm4b:s17+s8], $0x1000, $0x38;
	[tilespmem:$0x1F000] =	vst v63  }
0x8c: {  	s20 =	simm.s32 $0x17000;
	s19 =	sadd.s32 $0x18400, s7  }
0x8d: {  	[tilespmem:s20], [sflag:$0x2] =	stream.linear.gather [hbm4b:s19+s8], $0x1000, $0x38;
	[tilespmem:$0x1F000] =	vst v63  }
0x8e: {  	s22 =	simm.s32 $0x18000;
	s21 =	sadd.s32 $0x20400, s7  }
0x8f: {  	[tilespmem:s22], [sflag:$0x2] =	stream.linear.gather [hbm4b:s21+s8], $0x1000, $0x38;
	[tilespmem:$0x1F000] =	vst v63  }
0x90: {  	s23 =	sadd.s32 s1, s5;
	s24 =	simm.s32 $0x1E000;
	s25 =	simm.s32 $0x2  }
0x91: {  	[hbm4b:s23+s8] =	stream.linear.scatter [tilespmem:s24], [sflag:$0x3], $0x1000, $0x38;
	[tilespmem:$0x1F000] =	vst v63  }
0x92: {  	_ =	swait.ge [sflag:s25], $0x1000  }
0x93: {  	[sflag:s25] =	ssyncset.done $0x0  }
0x94: {  	[sflag:s25] =	ssyncadd.s32 $0xFFFFF000  }
0x95: {  	_ =	swait.ge [sflag:s25], $0x1000  }
0x96: {  	[sflag:s25] =	ssyncset.done $0x0  }
0x97: {  	[sflag:s25] =	ssyncadd.s32 $0xFFFFF000  }
0x98: {  	_ =	swait.ge [sflag:s25], $0x1000  }
0x99: {  	[sflag:s25] =	ssyncset.done $0x0  }
0x9a: {  	[sflag:s25] =	ssyncadd.s32 $0xFFFFF000  }
0x9b: {  	_ =	swait.ge [sflag:s25], $0x1000  }
0x9c: {  	[sflag:s25] =	ssyncset.done $0x0  }
0x9d: {  	[sflag:s25] =	ssyncadd.s32 $0xFFFFF000  }
0x9e: {  	_ =	swait.ge [sflag:s25], $0x1000  }
0x9f: {  	[sflag:s25] =	ssyncset.done $0x0  }
0xa0: {  	s26 =	simm.s32 $0x3;
	[sflag:s25] =	ssyncadd.s32 $0xFFFFF000  }
0xa1: {  	s28 =	sand.u32 $0xC00, s8;
	s29 =	sand.u32 $0x380, s8;
	_ =	swait.ge [sflag:s26], $0x1000  }
0xa2: {  	s30 =	sand.u32 $0x60, s8;
	s10 =	sor.u32 s29, s28;
	[sflag:s26] =	ssyncset.done $0x0  }
0xa3: {  	s9 =	sor.u32 s30, s10;
	[sflag:s26] =	ssyncadd.s32 $0xFFFFF000  }
0xa4: {  	v0 =	vld [tilespmem:s9+$0x19010]  }
0xa5: {  	v1 =	vld [tilespmem:s9+$0x19000]  }
0xa6: {  	v2 =	vld [tilespmem:s9+$0x1A010]  }
0xa7: {  	v3 =	vld [tilespmem:s9+$0x1A000]  }
0xa8: {  	v4 =	vld [tilespmem:s9+$0x1B010]  }
0xa9: {  	s31 =	simm.s32 $0x100;
	s15 =	simm.s32 $0x8;
	v5 =	vld [tilespmem:s9+$0x1B000]  }
0xaa: {  	s11 =	sand.u32 $0xC00, s31;
	s16 =	simm.s32 $0x20;
	s15 =	sand.u32 $0x380, s15;
	v6 =	vld [tilespmem:s9+$0x1C010]  }
0xab: {  	s16 =	sand.u32 $0x60, s16;
	s11 =	sor.u32 s15, s11;
	v7 =	vld [tilespmem:s9+$0x1D010]  }
0xac: {  	s11 =	sor.u32 s16, s11;
	v9 =	vld [tilespmem:s9+$0x1C000]  }
0xad: {  	v11 =	vld [tilespmem:s11+$0x19010]  }
0xae: {  	v12 =	vld [tilespmem:s11+$0x19000]  }
0xaf: {  	v13 =	vld [tilespmem:s11+$0x1A010]  }
0xb0: {  	v14 =	vld [tilespmem:s11+$0x1A000]  }
0xb1: {  	v15 =	vld [tilespmem:s11+$0x1B010]  }
0xb2: {  	v16 =	vld [tilespmem:s11+$0x1D010]  }
0xb3: {  	v8 =	vld.idx.msk [tilespmem:v0+s8+$0x0], $0xffff  }
0xb4: {  	s10 =	simm.s32 $0x4000;
	v1 =	vld.idx.msk [tilespmem:v1+s8+$0x0], $0xffff  }
0xb5: {  	s12 =	simm.s32 $0x8000;
	v10 =	vld.idx.msk [tilespmem:v2+s10+$0x0], $0xffff  }
0xb6: {  	v4 =	vld.idx.msk [tilespmem:v4+s12+$0x0], $0xffff  }
0xb7: {  	s14 =	simm.s32 $0xC000;
	v3 =	vld.idx.msk [tilespmem:v3+s10+$0x0], $0xffff  }
0xb8: {  	v6 =	vld.idx.msk [tilespmem:v6+s14+$0x0], $0xffff  }
0xb9: {  	s13 =	simm.s32 $0x10000;
	v0 =	vld [tilespmem:s9+$0x1D000]  }
0xba: {  	v7 =	vld.idx.msk [tilespmem:v7+s13+$0x0], $0xffff  }
0xbb: {  	v5 =	vld.idx.msk [tilespmem:v5+s12+$0x0], $0xffff;
	v8 =	vadd.f32 $0.0e+00, v8  }
0xbc: {  	v9 =	vld.idx.msk [tilespmem:v9+s14+$0x0], $0xffff  }
0xbd: {  	v2 =	vld [tilespmem:s11+$0x1B000];
	v8 =	vadd.f32 v10, v8  }
0xbe: {  	v10 =	vld [tilespmem:s11+$0x1C010]  }
0xbf: {  	v62 =	vld.idx.msk [tilespmem:v13+s10+$0x0], $0xffff;
	v1 =	vadd.f32 $0.0e+00, v1;
	v4 =	vadd.f32 v4, v8  }
0xc0: {  	v8 =	vld.idx.msk [tilespmem:v11+s8+$0x0], $0xffff  }
0xc1: {  	v1 =	vadd.f32 v3, v1;
	v3 =	vld [tilespmem:s11+$0x1C000];
	v4 =	vadd.f32 v6, v4  }
0xc2: {  	v11 =	vld.idx.msk [tilespmem:v12+s8+$0x0], $0xffff  }
0xc3: {  	v6 =	vld.idx.msk [tilespmem:v15+s12+$0x0], $0xffff;
	v7 =	vadd.f32 v7, v4  }
0xc4: {  	v1 =	vadd.f32 v5, v1;
	v4 =	vld.idx.msk [tilespmem:v14+s10+$0x0], $0xffff  }
0xc5: {  	v63 =	vadd.f32 $0.0e+00, v8;
	v8 =	vld [tilespmem:s11+$0x1D000];
	v7 =	vmul.f32 $2.000000030e-01, v7  }
0xc6: {  	s15 =	simm.s32 $0x2;
	v1 =	vadd.f32 v9, v1;
	v5 =	vld.idx.msk [tilespmem:v10+s14+$0x0], $0xffff  }
0xc7: {  	s17 =	simm.s32 $0x200;
	s18 =	simm.s32 $0x10;
	s16 =	simm.s32 $0x40;
	v9 =	vadd.f32 $0.0e+00, v11;
	v10 =	vadd.f32 v62, v63;
	[tilespmem:s9+$0x1E010] =	vst v7;
	v7 =	vld.idx.msk [tilespmem:v16+s13+$0x0], $0xffff  }
.LBB2_3:
0xc8: {  	s19 =	sand.u32 $0xC00, s17;
	s20 =	sand.u32 $0x380, s18;
	s15 =	sadd.s32 $0x2, s15;
	v2 =	vld.idx.msk [tilespmem:v2+s12+$0x0], $0xffff  }
0xc9: {  	s21 =	sand.u32 $0x60, s16;
	s19 =	sor.u32 s20, s19;
	p0 =	slt.u32 s15, $0xFE;
	v6 =	vadd.f32 v6, v10;
	v10 =	vld.idx.msk [tilespmem:v0+s13+$0x0], $0xffff  }
0xca: {  	v4 =	vadd.f32 v4, v9;
	s19 =	sor.u32 s21, s19;
	v3 =	vld.idx.msk [tilespmem:v3+s14+$0x0], $0xffff  }
0xcb: {  	v9 =	vld [tilespmem:s19+$0x19010];
	v5 =	vadd.f32 v5, v6;
	v0 =	vmov v8  }
0xcc: {  	v6 =	vld [tilespmem:s19+$0x19000]  }
0xcd: {  	v8 =	vld [tilespmem:s19+$0x1A010];
	v5 =	vadd.f32 v7, v5  }
0xce: {  	v4 =	vadd.f32 v2, v4;
	v7 =	vld [tilespmem:s19+$0x1A000]  }
0xcf: {  	v10 =	vadd.f32 v10, v1;
	v11 =	vld [tilespmem:s19+$0x1B010];
	v5 =	vmul.f32 $2.000000030e-01, v5  }
0xd0: {  	v1 =	vadd.f32 v3, v4;
	v2 =	vld [tilespmem:s19+$0x1B000]  }
0xd1: {  	v3 =	vmul.f32 $2.000000030e-01, v10;
	v12 =	vld [tilespmem:s19+$0x1C010];
	[tilespmem:s11+$0x1E010] =	vst v5  }
0xd2: {  	v13 =	vld [tilespmem:s19+$0x1D010]  }
0xd3: {  	v5 =	vld.idx.msk [tilespmem:v9+s8+$0x0], $0xffff;
	[tilespmem:s9+$0x1E000] =	vst v3;
	s9 =	smov.u32 s11;
	s11 =	smov.u32 s19  }
0xd4: {  	v9 =	vld.idx.msk [tilespmem:v6+s8+$0x0], $0xffff  }
0xd5: {  	v10 =	vld.idx.msk [tilespmem:v8+s10+$0x0], $0xffff  }
0xd6: {  	v3 =	vld [tilespmem:s11+$0x1C000]  }
.Ltmp1:
0xd7: {  	v6 =	vld.idx.msk [tilespmem:v11+s12+$0x0], $0xffff;
	(pc) =	sbr.rel @p0 .LBB2_3-.Ltmp1, $4  }
0xd8: {  	v4 =	vld.idx.msk [tilespmem:v7+s10+$0x0], $0xffff  }
0xd9: {  	v7 =	vadd.f32 $0.0e+00, v5;
	v5 =	vld.idx.msk [tilespmem:v12+s14+$0x0], $0xffff  }
0xda: {  	v9 =	vadd.f32 $0.0e+00, v9;
	v8 =	vld [tilespmem:s11+$0x1D000]  }
0xdb: {  	s16 =	sadd.s32 $0x20, s16;
	s17 =	sadd.s32 $0x100, s17;
	s18 =	sadd.s32 $0x8, s18;
	v10 =	vadd.f32 v10, v7;
	v7 =	vld.idx.msk [tilespmem:v13+s13+$0x0], $0xffff  }
0xdc: {  	_ =	sdelay $0x3  }
0xdd: {  	v2 =	vld.idx.msk [tilespmem:v2+s12+$0x0], $0xffff;
	_ =	sdelay $0x1  }
0xde: {  	v3 =	vld.idx.msk [tilespmem:v3+s14+$0x0], $0xffff  }
0xdf: {  	v0 =	vld.idx.msk [tilespmem:v0+s13+$0x0], $0xffff;
	v6 =	vadd.f32 v6, v10;
	v4 =	vadd.f32 v4, v9  }
0xe0: {  	v8 =	vld.idx.msk [tilespmem:v8+s13+$0x0], $0xffff  }
0xe1: {  	v5 =	vadd.f32 v5, v6;
	v2 =	vadd.f32 v2, v4;
	_ =	sdelay $0x1  }
0xe2: {  	v4 =	vadd.f32 v7, v5;
	v2 =	vadd.f32 v3, v2  }
0xe3: {  	v0 =	vadd.f32 v0, v1  }
0xe4: {  	v1 =	vmul.f32 $2.000000030e-01, v4;
	v2 =	vadd.f32 v8, v2  }
0xe5: {  	v0 =	vmul.f32 $2.000000030e-01, v0  }
0xe6: {  	[tilespmem:s11+$0x1E010] =	vst v1;
	v1 =	vmul.f32 $2.000000030e-01, v2  }
0xe7: {  	s5 =	sor.u32 $0x600, s5;
	[tilespmem:s9+$0x1E000] =	vst v0  }
0xe8: {  	s8 =	sadd.s32 s3, s5;
	s3 =	simm.s32 $0x0;
	s13 =	simm.s32 $0x19000;
	[tilespmem:s11+$0x1E000] =	vst v1  }
0xe9: {  	[tilespmem:s13], [sflag:$0x2] =	stream.linear.gather [hbm4b:s8+s3], $0x1000, $0x38;
	[tilespmem:$0x1F000] =	vst v63  }
0xea: {  	s14 =	sadd.s32 $0x8600, s7;
	s15 =	simm.s32 $0x1A000  }
0xeb: {  	[tilespmem:s15], [sflag:$0x2] =	stream.linear.gather [hbm4b:s14+s3], $0x1000, $0x38;
	[tilespmem:$0x1F000] =	vst v63  }
0xec: {  	s16 =	sadd.s32 $0x10600, s7;
	s17 =	simm.s32 $0x1B000  }
0xed: {  	[tilespmem:s17], [sflag:$0x2] =	stream.linear.gather [hbm4b:s16+s3], $0x1000, $0x38;
	[tilespmem:$0x1F000] =	vst v63  }
0xee: {  	s18 =	sadd.s32 $0x18600, s7;
	s19 =	simm.s32 $0x1C000  }
0xef: {  	[tilespmem:s19], [sflag:$0x2] =	stream.linear.gather [hbm4b:s18+s3], $0x1000, $0x38;
	[tilespmem:$0x1F000] =	vst v63  }
0xf0: {  	s20 =	sadd.s32 $0x20600, s7;
	s21 =	simm.s32 $0x1D000  }
0xf1: {  	[tilespmem:s21], [sflag:$0x2] =	stream.linear.gather [hbm4b:s20+s3], $0x1000, $0x38;
	[tilespmem:$0x1F000] =	vst v63  }
0xf2: {  	s4 =	sadd.s32 s1, s4;
	s22 =	simm.s32 $0x1E000;
	s23 =	simm.s32 $0x2  }
0xf3: {  	[hbm4b:s4+s3] =	stream.linear.scatter [tilespmem:s22], [sflag:$0x3], $0x1000, $0x38;
	[tilespmem:$0x1F000] =	vst v63  }
0xf4: {  	_ =	swait.ge [sflag:s23], $0x1000  }
0xf5: {  	[sflag:s23] =	ssyncset.done $0x0  }
0xf6: {  	[sflag:s23] =	ssyncadd.s32 $0xFFFFF000  }
0xf7: {  	_ =	swait.ge [sflag:s23], $0x1000  }
0xf8: {  	[sflag:s23] =	ssyncset.done $0x0  }
0xf9: {  	[sflag:s23] =	ssyncadd.s32 $0xFFFFF000  }
0xfa: {  	_ =	swait.ge [sflag:s23], $0x1000  }
0xfb: {  	[sflag:s23] =	ssyncset.done $0x0  }
0xfc: {  	[sflag:s23] =	ssyncadd.s32 $0xFFFFF000  }
0xfd: {  	_ =	swait.ge [sflag:s23], $0x1000  }
0xfe: {  	[sflag:s23] =	ssyncset.done $0x0  }
0xff: {  	[sflag:s23] =	ssyncadd.s32 $0xFFFFF000  }
0x100: {  	_ =	swait.ge [sflag:s23], $0x1000  }
0x101: {  	[sflag:s23] =	ssyncset.done $0x0  }
0x102: {  	s24 =	simm.s32 $0x3;
	[sflag:s23] =	ssyncadd.s32 $0xFFFFF000  }
0x103: {  	s25 =	sand.u32 $0xC00, s3;
	s26 =	sand.u32 $0x380, s3;
	_ =	swait.ge [sflag:s24], $0x1000  }
0x104: {  	s28 =	sand.u32 $0x60, s3;
	s7 =	sor.u32 s26, s25;
	[sflag:s24] =	ssyncset.done $0x0  }
0x105: {  	s4 =	sor.u32 s28, s7;
	[sflag:s24] =	ssyncadd.s32 $0xFFFFF000  }
0x106: {  	v0 =	vld [tilespmem:s4+$0x14010]  }
0x107: {  	v1 =	vld [tilespmem:s4+$0x14000]  }
0x108: {  	v2 =	vld [tilespmem:s4+$0x15010]  }
0x109: {  	v3 =	vld [tilespmem:s4+$0x15000]  }
0x10a: {  	v4 =	vld [tilespmem:s4+$0x16010]  }
0x10b: {  	s29 =	simm.s32 $0x100;
	s30 =	simm.s32 $0x8;
	v5 =	vld [tilespmem:s4+$0x16000]  }
0x10c: {  	s31 =	simm.s32 $0x20;
	s12 =	sand.u32 $0x380, s30;
	s9 =	sand.u32 $0xC00, s29;
	v6 =	vld [tilespmem:s4+$0x17010]  }
0x10d: {  	s9 =	sor.u32 s12, s9;
	s13 =	sand.u32 $0x60, s31;
	v7 =	vld [tilespmem:s4+$0x18010]  }
0x10e: {  	s9 =	sor.u32 s13, s9;
	v9 =	vld [tilespmem:s4+$0x17000]  }
0x10f: {  	v11 =	vld [tilespmem:s9+$0x14010]  }
0x110: {  	v12 =	vld [tilespmem:s9+$0x14000]  }
0x111: {  	v13 =	vld [tilespmem:s9+$0x15010]  }
0x112: {  	v14 =	vld [tilespmem:s9+$0x15000]  }
0x113: {  	v15 =	vld [tilespmem:s9+$0x16010]  }
0x114: {  	v16 =	vld [tilespmem:s9+$0x18010]  }
0x115: {  	v8 =	vld.idx.msk [tilespmem:v0+s3+$0x0], $0xffff  }
0x116: {  	s7 =	simm.s32 $0x4000;
	v1 =	vld.idx.msk [tilespmem:v1+s3+$0x0], $0xffff  }
0x117: {  	s8 =	simm.s32 $0x8000;
	v10 =	vld.idx.msk [tilespmem:v2+s7+$0x0], $0xffff  }
0x118: {  	v4 =	vld.idx.msk [tilespmem:v4+s8+$0x0], $0xffff  }
0x119: {  	s11 =	simm.s32 $0xC000;
	v3 =	vld.idx.msk [tilespmem:v3+s7+$0x0], $0xffff  }
0x11a: {  	v6 =	vld.idx.msk [tilespmem:v6+s11+$0x0], $0xffff  }
0x11b: {  	s10 =	simm.s32 $0x10000;
	v0 =	vld [tilespmem:s4+$0x18000]  }
0x11c: {  	v7 =	vld.idx.msk [tilespmem:v7+s10+$0x0], $0xffff  }
0x11d: {  	v5 =	vld.idx.msk [tilespmem:v5+s8+$0x0], $0xffff;
	v8 =	vadd.f32 $0.0e+00, v8  }
0x11e: {  	v9 =	vld.idx.msk [tilespmem:v9+s11+$0x0], $0xffff  }
0x11f: {  	v2 =	vld [tilespmem:s9+$0x16000];
	v8 =	vadd.f32 v10, v8  }
0x120: {  	v10 =	vld [tilespmem:s9+$0x17010]  }
0x121: {  	v62 =	vld.idx.msk [tilespmem:v13+s7+$0x0], $0xffff;
	v1 =	vadd.f32 $0.0e+00, v1;
	v4 =	vadd.f32 v4, v8  }
0x122: {  	v8 =	vld.idx.msk [tilespmem:v11+s3+$0x0], $0xffff  }
0x123: {  	v1 =	vadd.f32 v3, v1;
	v3 =	vld [tilespmem:s9+$0x17000];
	v4 =	vadd.f32 v6, v4  }
0x124: {  	v11 =	vld.idx.msk [tilespmem:v12+s3+$0x0], $0xffff  }
0x125: {  	v6 =	vld.idx.msk [tilespmem:v15+s8+$0x0], $0xffff;
	v7 =	vadd.f32 v7, v4  }
0x126: {  	v1 =	vadd.f32 v5, v1;
	v4 =	vld.idx.msk [tilespmem:v14+s7+$0x0], $0xffff  }
0x127: {  	v63 =	vadd.f32 $0.0e+00, v8;
	v8 =	vld [tilespmem:s9+$0x18000];
	v7 =	vmul.f32 $2.000000030e-01, v7  }
0x128: {  	s12 =	simm.s32 $0x2;
	v1 =	vadd.f32 v9, v1;
	v5 =	vld.idx.msk [tilespmem:v10+s11+$0x0], $0xffff  }
0x129: {  	s13 =	simm.s32 $0x40;
	s14 =	simm.s32 $0x200;
	s15 =	simm.s32 $0x10;
	v9 =	vadd.f32 $0.0e+00, v11;
	v10 =	vadd.f32 v62, v63;
	[tilespmem:s4+$0x1E010] =	vst v7;
	v7 =	vld.idx.msk [tilespmem:v16+s10+$0x0], $0xffff  }
.LBB2_5:
0x12a: {  	s16 =	sand.u32 $0xC00, s14;
	s17 =	sand.u32 $0x380, s15;
	s12 =	sadd.s32 $0x2, s12;
	v2 =	vld.idx.msk [tilespmem:v2+s8+$0x0], $0xffff  }
0x12b: {  	s18 =	sand.u32 $0x60, s13;
	s16 =	sor.u32 s17, s16;
	p0 =	slt.u32 s12, $0xFE;
	v6 =	vadd.f32 v6, v10;
	v10 =	vld.idx.msk [tilespmem:v0+s10+$0x0], $0xffff  }
0x12c: {  	v4 =	vadd.f32 v4, v9;
	s16 =	sor.u32 s18, s16;
	v3 =	vld.idx.msk [tilespmem:v3+s11+$0x0], $0xffff  }
0x12d: {  	v9 =	vld [tilespmem:s16+$0x14010];
	v5 =	vadd.f32 v5, v6;
	v0 =	vmov v8  }
0x12e: {  	v6 =	vld [tilespmem:s16+$0x14000]  }
0x12f: {  	v8 =	vld [tilespmem:s16+$0x15010];
	v5 =	vadd.f32 v7, v5  }
0x130: {  	v4 =	vadd.f32 v2, v4;
	v7 =	vld [tilespmem:s16+$0x15000]  }
0x131: {  	v10 =	vadd.f32 v10, v1;
	v11 =	vld [tilespmem:s16+$0x16010];
	v5 =	vmul.f32 $2.000000030e-01, v5  }
0x132: {  	v1 =	vadd.f32 v3, v4;
	v2 =	vld [tilespmem:s16+$0x16000]  }
0x133: {  	v3 =	vmul.f32 $2.000000030e-01, v10;
	v12 =	vld [tilespmem:s16+$0x17010];
	[tilespmem:s9+$0x1E010] =	vst v5  }
0x134: {  	v13 =	vld [tilespmem:s16+$0x18010]  }
0x135: {  	v5 =	vld.idx.msk [tilespmem:v9+s3+$0x0], $0xffff;
	[tilespmem:s4+$0x1E000] =	vst v3;
	s4 =	smov.u32 s9;
	s9 =	smov.u32 s16  }
0x136: {  	v9 =	vld.idx.msk [tilespmem:v6+s3+$0x0], $0xffff  }
0x137: {  	v10 =	vld.idx.msk [tilespmem:v8+s7+$0x0], $0xffff  }
0x138: {  	v3 =	vld [tilespmem:s9+$0x17000]  }
.Ltmp2:
0x139: {  	v6 =	vld.idx.msk [tilespmem:v11+s8+$0x0], $0xffff;
	(pc) =	sbr.rel @p0 .LBB2_5-.Ltmp2, $4  }
0x13a: {  	v4 =	vld.idx.msk [tilespmem:v7+s7+$0x0], $0xffff  }
0x13b: {  	v7 =	vadd.f32 $0.0e+00, v5;
	v5 =	vld.idx.msk [tilespmem:v12+s11+$0x0], $0xffff  }
0x13c: {  	v9 =	vadd.f32 $0.0e+00, v9;
	v8 =	vld [tilespmem:s9+$0x18000]  }
0x13d: {  	s13 =	sadd.s32 $0x20, s13;
	s14 =	sadd.s32 $0x100, s14;
	s15 =	sadd.s32 $0x8, s15;
	v10 =	vadd.f32 v10, v7;
	v7 =	vld.idx.msk [tilespmem:v13+s10+$0x0], $0xffff  }
0x13e: {  	_ =	sdelay $0x3  }
0x13f: {  	v2 =	vld.idx.msk [tilespmem:v2+s8+$0x0], $0xffff;
	_ =	sdelay $0x1  }
0x140: {  	v3 =	vld.idx.msk [tilespmem:v3+s11+$0x0], $0xffff  }
0x141: {  	v0 =	vld.idx.msk [tilespmem:v0+s10+$0x0], $0xffff;
	v6 =	vadd.f32 v6, v10;
	v4 =	vadd.f32 v4, v9  }
0x142: {  	v8 =	vld.idx.msk [tilespmem:v8+s10+$0x0], $0xffff  }
0x143: {  	v5 =	vadd.f32 v5, v6;
	v2 =	vadd.f32 v2, v4;
	_ =	sdelay $0x1  }
0x144: {  	v4 =	vadd.f32 v7, v5;
	v2 =	vadd.f32 v3, v2  }
0x145: {  	v0 =	vadd.f32 v0, v1  }
0x146: {  	v1 =	vmul.f32 $2.000000030e-01, v4;
	v2 =	vadd.f32 v8, v2  }
0x147: {  	v0 =	vmul.f32 $2.000000030e-01, v0  }
0x148: {  	[tilespmem:s9+$0x1E010] =	vst v1;
	v1 =	vmul.f32 $2.000000030e-01, v2  }
0x149: {  	s23 =	sadd.s32 s1, s6;
	[tilespmem:s4+$0x1E000] =	vst v0  }
0x14a: {  	s3 =	simm.s32 $0x0;
	s24 =	simm.s32 $0x1E000;
	s25 =	simm.s32 $0x2;
	[tilespmem:s9+$0x1E000] =	vst v1  }
0x14b: {  	[hbm4b:s23+s3] =	stream.linear.scatter [tilespmem:s24], [sflag:$0x3], $0x1000, $0x38;
	[tilespmem:$0x1F000] =	vst v63  }
0x14c: {  	_ =	swait.ge [sflag:s25], $0x1000  }
0x14d: {  	[sflag:s25] =	ssyncset.done $0x0  }
0x14e: {  	[sflag:s25] =	ssyncadd.s32 $0xFFFFF000  }
0x14f: {  	_ =	swait.ge [sflag:s25], $0x1000  }
0x150: {  	[sflag:s25] =	ssyncset.done $0x0  }
0x151: {  	[sflag:s25] =	ssyncadd.s32 $0xFFFFF000  }
0x152: {  	_ =	swait.ge [sflag:s25], $0x1000  }
0x153: {  	[sflag:s25] =	ssyncset.done $0x0  }
0x154: {  	[sflag:s25] =	ssyncadd.s32 $0xFFFFF000  }
0x155: {  	_ =	swait.ge [sflag:s25], $0x1000  }
0x156: {  	[sflag:s25] =	ssyncset.done $0x0  }
0x157: {  	[sflag:s25] =	ssyncadd.s32 $0xFFFFF000  }
0x158: {  	_ =	swait.ge [sflag:s25], $0x1000  }
0x159: {  	[sflag:s25] =	ssyncset.done $0x0  }
0x15a: {  	s26 =	simm.s32 $0x3;
	[sflag:s25] =	ssyncadd.s32 $0xFFFFF000  }
0x15b: {  	s28 =	sand.u32 $0xC00, s3;
	s7 =	sand.u32 $0x380, s3;
	_ =	swait.ge [sflag:s26], $0x1000  }
0x15c: {  	s29 =	sand.u32 $0x60, s3;
	s6 =	sor.u32 s7, s28;
	[sflag:s26] =	ssyncset.done $0x0  }
0x15d: {  	s4 =	sor.u32 s29, s6;
	[sflag:s26] =	ssyncadd.s32 $0xFFFFF000  }
0x15e: {  	v0 =	vld [tilespmem:s4+$0x19010]  }
0x15f: {  	v1 =	vld [tilespmem:s4+$0x19000]  }
0x160: {  	v2 =	vld [tilespmem:s4+$0x1A010]  }
0x161: {  	v3 =	vld [tilespmem:s4+$0x1A000]  }
0x162: {  	v4 =	vld [tilespmem:s4+$0x1B010]  }
0x163: {  	s30 =	simm.s32 $0x100;
	s31 =	simm.s32 $0x8;
	v5 =	vld [tilespmem:s4+$0x1B000]  }
0x164: {  	s12 =	simm.s32 $0x20;
	s8 =	sand.u32 $0xC00, s30;
	s11 =	sand.u32 $0x380, s31;
	v6 =	vld [tilespmem:s4+$0x1C010]  }
0x165: {  	s12 =	sand.u32 $0x60, s12;
	s8 =	sor.u32 s11, s8;
	v7 =	vld [tilespmem:s4+$0x1D010]  }
0x166: {  	s8 =	sor.u32 s12, s8;
	v9 =	vld [tilespmem:s4+$0x1C000]  }
0x167: {  	v11 =	vld [tilespmem:s8+$0x19010]  }
0x168: {  	v12 =	vld [tilespmem:s8+$0x19000]  }
0x169: {  	v13 =	vld [tilespmem:s8+$0x1A010]  }
0x16a: {  	v14 =	vld [tilespmem:s8+$0x1A000]  }
0x16b: {  	v15 =	vld [tilespmem:s8+$0x1B010]  }
0x16c: {  	v16 =	vld [tilespmem:s8+$0x1D010]  }
0x16d: {  	v8 =	vld.idx.msk [tilespmem:v0+s3+$0x0], $0xffff  }
0x16e: {  	s6 =	simm.s32 $0x4000;
	v1 =	vld.idx.msk [tilespmem:v1+s3+$0x0], $0xffff  }
0x16f: {  	s7 =	simm.s32 $0x8000;
	v10 =	vld.idx.msk [tilespmem:v2+s6+$0x0], $0xffff  }
0x170: {  	v4 =	vld.idx.msk [tilespmem:v4+s7+$0x0], $0xffff  }
0x171: {  	s10 =	simm.s32 $0xC000;
	v3 =	vld.idx.msk [tilespmem:v3+s6+$0x0], $0xffff  }
0x172: {  	v6 =	vld.idx.msk [tilespmem:v6+s10+$0x0], $0xffff  }
0x173: {  	s9 =	simm.s32 $0x10000;
	v0 =	vld [tilespmem:s4+$0x1D000]  }
0x174: {  	v7 =	vld.idx.msk [tilespmem:v7+s9+$0x0], $0xffff  }
0x175: {  	v5 =	vld.idx.msk [tilespmem:v5+s7+$0x0], $0xffff;
	v8 =	vadd.f32 $0.0e+00, v8  }
0x176: {  	v9 =	vld.idx.msk [tilespmem:v9+s10+$0x0], $0xffff  }
0x177: {  	v2 =	vld [tilespmem:s8+$0x1B000];
	v8 =	vadd.f32 v10, v8  }
0x178: {  	v10 =	vld [tilespmem:s8+$0x1C010]  }
0x179: {  	v62 =	vld.idx.msk [tilespmem:v13+s6+$0x0], $0xffff;
	v1 =	vadd.f32 $0.0e+00, v1;
	v4 =	vadd.f32 v4, v8  }
0x17a: {  	v8 =	vld.idx.msk [tilespmem:v11+s3+$0x0], $0xffff  }
0x17b: {  	v1 =	vadd.f32 v3, v1;
	v3 =	vld [tilespmem:s8+$0x1C000];
	v4 =	vadd.f32 v6, v4  }
0x17c: {  	v11 =	vld.idx.msk [tilespmem:v12+s3+$0x0], $0xffff  }
0x17d: {  	v6 =	vld.idx.msk [tilespmem:v15+s7+$0x0], $0xffff;
	v7 =	vadd.f32 v7, v4  }
0x17e: {  	v1 =	vadd.f32 v5, v1;
	v4 =	vld.idx.msk [tilespmem:v14+s6+$0x0], $0xffff  }
0x17f: {  	v63 =	vadd.f32 $0.0e+00, v8;
	v8 =	vld [tilespmem:s8+$0x1D000];
	v7 =	vmul.f32 $2.000000030e-01, v7  }
0x180: {  	s13 =	simm.s32 $0x200;
	v1 =	vadd.f32 v9, v1;
	v5 =	vld.idx.msk [tilespmem:v10+s10+$0x0], $0xffff  }
0x181: {  	s14 =	simm.s32 $0x10;
	s11 =	simm.s32 $0x2;
	s12 =	simm.s32 $0x40;
	v9 =	vadd.f32 $0.0e+00, v11;
	v10 =	vadd.f32 v62, v63;
	[tilespmem:s4+$0x1E010] =	vst v7;
	v7 =	vld.idx.msk [tilespmem:v16+s9+$0x0], $0xffff  }
.LBB2_7:
0x182: {  	s15 =	sand.u32 $0xC00, s13;
	s16 =	sand.u32 $0x380, s14;
	s11 =	sadd.s32 $0x2, s11;
	v2 =	vld.idx.msk [tilespmem:v2+s7+$0x0], $0xffff  }
0x183: {  	s17 =	sand.u32 $0x60, s12;
	s15 =	sor.u32 s16, s15;
	p0 =	slt.u32 s11, $0xFE;
	v6 =	vadd.f32 v6, v10;
	v10 =	vld.idx.msk [tilespmem:v0+s9+$0x0], $0xffff  }
0x184: {  	v4 =	vadd.f32 v4, v9;
	s15 =	sor.u32 s17, s15;
	v3 =	vld.idx.msk [tilespmem:v3+s10+$0x0], $0xffff  }
0x185: {  	v9 =	vld [tilespmem:s15+$0x19010];
	v5 =	vadd.f32 v5, v6;
	v0 =	vmov v8  }
0x186: {  	v6 =	vld [tilespmem:s15+$0x19000]  }
0x187: {  	v8 =	vld [tilespmem:s15+$0x1A010];
	v5 =	vadd.f32 v7, v5  }
0x188: {  	v4 =	vadd.f32 v2, v4;
	v7 =	vld [tilespmem:s15+$0x1A000]  }
0x189: {  	v10 =	vadd.f32 v10, v1;
	v11 =	vld [tilespmem:s15+$0x1B010];
	v5 =	vmul.f32 $2.000000030e-01, v5  }
0x18a: {  	v1 =	vadd.f32 v3, v4;
	v2 =	vld [tilespmem:s15+$0x1B000]  }
0x18b: {  	v3 =	vmul.f32 $2.000000030e-01, v10;
	v12 =	vld [tilespmem:s15+$0x1C010];
	[tilespmem:s8+$0x1E010] =	vst v5  }
0x18c: {  	v13 =	vld [tilespmem:s15+$0x1D010]  }
0x18d: {  	v5 =	vld.idx.msk [tilespmem:v9+s3+$0x0], $0xffff;
	[tilespmem:s4+$0x1E000] =	vst v3;
	s4 =	smov.u32 s8;
	s8 =	smov.u32 s15  }
0x18e: {  	v9 =	vld.idx.msk [tilespmem:v6+s3+$0x0], $0xffff  }
0x18f: {  	v10 =	vld.idx.msk [tilespmem:v8+s6+$0x0], $0xffff  }
0x190: {  	v3 =	vld [tilespmem:s8+$0x1C000]  }
.Ltmp3:
0x191: {  	v6 =	vld.idx.msk [tilespmem:v11+s7+$0x0], $0xffff;
	(pc) =	sbr.rel @p0 .LBB2_7-.Ltmp3, $4  }
0x192: {  	v4 =	vld.idx.msk [tilespmem:v7+s6+$0x0], $0xffff  }
0x193: {  	v7 =	vadd.f32 $0.0e+00, v5;
	v5 =	vld.idx.msk [tilespmem:v12+s10+$0x0], $0xffff  }
0x194: {  	v9 =	vadd.f32 $0.0e+00, v9;
	v8 =	vld [tilespmem:s8+$0x1D000]  }
0x195: {  	s12 =	sadd.s32 $0x20, s12;
	s13 =	sadd.s32 $0x100, s13;
	s14 =	sadd.s32 $0x8, s14;
	v10 =	vadd.f32 v10, v7;
	v7 =	vld.idx.msk [tilespmem:v13+s9+$0x0], $0xffff  }
0x196: {  	_ =	sdelay $0x3  }
0x197: {  	v2 =	vld.idx.msk [tilespmem:v2+s7+$0x0], $0xffff;
	_ =	sdelay $0x1  }
0x198: {  	v3 =	vld.idx.msk [tilespmem:v3+s10+$0x0], $0xffff  }
0x199: {  	v0 =	vld.idx.msk [tilespmem:v0+s9+$0x0], $0xffff;
	v6 =	vadd.f32 v6, v10;
	v4 =	vadd.f32 v4, v9  }
0x19a: {  	v8 =	vld.idx.msk [tilespmem:v8+s9+$0x0], $0xffff  }
0x19b: {  	v5 =	vadd.f32 v5, v6;
	v2 =	vadd.f32 v2, v4;
	_ =	sdelay $0x1  }
0x19c: {  	v61 =	vadd.f32 v7, v5;
	v2 =	vadd.f32 v3, v2  }
0x19d: {  	v0 =	vadd.f32 v0, v1  }
0x19e: {  	v62 =	vmul.f32 $2.000000030e-01, v61;
	v2 =	vadd.f32 v8, v2  }
0x19f: {  	v0 =	vmul.f32 $2.000000030e-01, v0  }
0x1a0: {  	[tilespmem:s8+$0x1E010] =	vst v62;
	v63 =	vmul.f32 $2.000000030e-01, v2  }
0x1a1: {  	s1 =	sadd.s32 s1, s5;
	[tilespmem:s4+$0x1E000] =	vst v0  }
0x1a2: {  	s3 =	simm.s32 $0x0;
	s30 =	simm.s32 $0x1E000;
	s31 =	simm.s32 $0x3;
	[tilespmem:s8+$0x1E000] =	vst v63  }
0x1a3: {  	[hbm4b:s1+s3] =	stream.linear.scatter [tilespmem:s30], [sflag:$0x3], $0x1000, $0x38;
	[tilespmem:$0x1F000] =	vst v63  }
0x1a4: {  	_ =	swait.ge [sflag:s31], $0x1000  }
0x1a5: {  	[sflag:s31] =	ssyncset.done $0x0  }
0x1a6: {  	[sflag:s31] =	ssyncadd.s32 $0xFFFFF000  }
0x1a7: {  	_ =	sfence.sel $0x180000  }
0x1a8: {  	[bflag:$0x0] =	sbarrier.arrive $0xFFFF  }
0x1a9: {  	p0 =	sne.s32 s2, $0x0;
	_ =	strace $0x90000047  }
0x1aa: {  	s0 =	sadd.s32 @!p0 $0x100000, s0;
	[bflag:$0x2] =	sbarrier.arrive $0xFFFF  }
0x1ab: {  	[sflag:s0] =	ssyncadd.tile.s32 @!p0 $0x1;
	_ =	shalt  }
.Lfunc_end2:
_tile_overlayer_lowered:
.L_overlay_start_2:
0x1ac: {  	(tag) =	ssettag $0x2  }
0x1ad: {  	s0 =	rddreg [dreg:$0x0];
	s2 =	stileid.u32  }
0x1ae: {  	s1 =	rddreg [dreg:$0x1];
	p0 =	sne.s32 s2, $0x0  }
0x1af: {  	s3 =	rddreg [dreg:$0x2];
	[bflag:$0x3] =	sbarrier.arrive $0xFFFF;
	s2 =	simm.s32 @!p0 $0x1C04  }
0x1b0: {  	[timem:s3], [sflag:s2] =	dma.local @!p0 [hbm:s0], s1  }
0x1b1: {  	s0 =	simm.s32 @!p0 $0x4  }
0x1b2: {  	_ =	swait.ge @!p0 [sflag:s0], s1  }
0x1b3: {  	s1 =	ssub.s32 @!p0 $0x0, s1;
	[sflag:s0] =	ssyncset.done @!p0 $0x0  }
0x1b4: {  	[sflag:s0] =	ssyncadd.s32 @!p0 s1  }
0x1b5: {  	[bflag:$0x3] =	sbarrier.arrive $0xFFFF  }
0x1b6: {  	_ =	shalt  }

</sc_bundles>
